<compile_context>
chip_gen: v7x
topology: tpu7x:2x2x1
jax: 0.10.2.dev20260603
libtpu: 0.0.44.dev20260713+nightly
codegen_flags: <defaults>
</compile_context>

<pallas_src>
import dataclasses
import functools

import jax
import jax.numpy as jnp
from jax import lax
from jax.experimental import pallas as pl
from jax.experimental.pallas import tpu as pltpu
from jax.experimental.pallas import tpu_sc as plsc

N = 10000
E = 320000
D = 128

NC = 2
NS = 16
CHUNK = 128
NCH = E // CHUNK
CPT = NCH // (NC * NS)
XTRA = NCH - CPT * NC * NS
TPB = CPT * CHUNK
N_PAD = 10240
RPT = N_PAD // NS

_MESH = dict(core_axis_name="c", subcore_axis_name="s")


GROUPS = TPB // 16


def _sc_degree(edge_index):
    mesh = plsc.VectorSubcoreMesh(**_MESH)
    cp = pltpu.CompilerParams()
    if "needs_layout_passes" in pltpu.CompilerParams.__dataclass_fields__:
        cp = dataclasses.replace(cp, needs_layout_passes=False)

    @functools.partial(
        pl.kernel,
        out_type=jax.ShapeDtypeStruct((NC * N_PAD,), jnp.float32),
        compiler_params=cp,
        mesh=mesh,
        scratch_types=[
            pltpu.VMEM((2, TPB), jnp.int32),
            pltpu.VMEM((2, CHUNK), jnp.int32),
            pltpu.VMEM((N_PAD,), jnp.float32),
            pltpu.VMEM((NS, RPT), jnp.float32),
            pltpu.VMEM_SHARED((NS, NS, RPT), jnp.float32),
            pltpu.SemaphoreType.DMA,
        ],
    )
    def k(ei_hbm, out_hbm, pidx_v, epair_v, acc_v, red_v, part_sh, isem):
        c = lax.axis_index("c")
        s = lax.axis_index("s")
        w = c * NS + s
        pltpu.async_copy(ei_hbm.at[:, pl.ds(w * TPB, TPB)], pidx_v, isem)

        @pl.when(w < XTRA)
        def _():
            pltpu.async_copy(ei_hbm.at[:, pl.ds((CPT * NC * NS + w) * CHUNK,
                                                CHUNK)], epair_v, isem)

        zeros16 = jnp.zeros((16,), jnp.float32)

        @pl.loop(0, N_PAD // 16)
        def _(i):
            acc_v[pl.ds(16 * i, 16)] = zeros16

        pltpu.make_async_copy(ei_hbm.at[:, pl.ds(0, TPB)], pidx_v,
                              isem).wait()
        ones16 = jnp.ones((16,), jnp.float32)

        @pl.loop(0, GROUPS)
        def _(e):
            idx = pidx_v[1, pl.ds(16 * e, 16)]
            plsc.addupdate_scatter(acc_v, [idx], ones16)

        @pl.when(w < XTRA)
        def _():
            pltpu.make_async_copy(ei_hbm.at[:, pl.ds(0, CHUNK)], epair_v,
                                  isem).wait()

            @pl.loop(0, CHUNK // 16)
            def _(e):
                idx = epair_v[1, pl.ds(16 * e, 16)]
                plsc.addupdate_scatter(acc_v, [idx], ones16)

        @pl.loop(0, NS)
        def _(r):
            pltpu.sync_copy(acc_v.at[pl.ds(r * RPT, RPT)], part_sh.at[r, s])

        plsc.subcore_barrier()
        pltpu.sync_copy(part_sh.at[s], red_v)

        @pl.loop(0, RPT // 16)
        def _(gg):
            tot = red_v[0, pl.ds(16 * gg, 16)]
            for r in range(1, NS):
                tot = tot + red_v[r, pl.ds(16 * gg, 16)]
            acc_v[pl.ds(16 * gg, 16)] = tot

        pltpu.sync_copy(acc_v.at[pl.ds(0, RPT)],
                        out_hbm.at[pl.ds(c * N_PAD + s * RPT, RPT)])

    return k(edge_index)


def _sc_aggregate(g, edge_index):
    mesh = plsc.VectorSubcoreMesh(**_MESH)

    @functools.partial(
        pl.kernel,
        out_type=jax.ShapeDtypeStruct((NC * N_PAD, D), jnp.float32),
        mesh=mesh,
        scratch_types=(
            [pltpu.VMEM((2, CHUNK), jnp.int32) for _ in range(4)]
            + [pltpu.VMEM((CHUNK, D), jnp.float32) for _ in range(2)]
            + [pltpu.VMEM_SHARED((N_PAD, D), jnp.float32)]
            + [pltpu.SemaphoreType.DMA for _ in range(6)]
        ),
    )
    def k(g_hbm, ei_hbm, out_hbm,
          p0, p1, p2, p3, rows0, rows1, acc_sh,
          gsem0, gsem1, i0, i1, i2, i3):
        pair = [p0, p1, p2, p3]
        sidx = [pr.at[0] for pr in pair]
        didx = [pr.at[1] for pr in pair]
        rows = [rows0, rows1]
        gsem = [gsem0, gsem1]
        isem = [i0, i1, i2, i3]
        c = lax.axis_index("c")
        s = lax.axis_index("s")
        w = c * NS + s
        tile_base = w * TPB
        zeros16 = jnp.zeros((16,), jnp.float32)

        @pl.loop(0, CHUNK)
        def _(z):
            for col in range(D // 16):
                rows0[z, pl.ds(16 * col, 16)] = zeros16

        for r5 in range(RPT // CHUNK):
            pltpu.sync_copy(rows0,
                            acc_sh.at[pl.ds(s * RPT + r5 * CHUNK, CHUNK)])
        plsc.subcore_barrier()

        def fire_idx(j, i):
            off = jnp.minimum(tile_base + j * CHUNK, E - CHUNK)
            pltpu.async_copy(ei_hbm.at[:, pl.ds(off, CHUNK)], pair[i],
                             isem[i])

        def wait_idx(i):
            pltpu.make_async_copy(ei_hbm.at[:, pl.ds(0, CHUNK)], pair[i],
                                  isem[i]).wait()

        def fire_gather(i, p):
            pltpu.async_copy(g_hbm.at[sidx[i]], rows[p], gsem[p])

        def wait_gather(p):
            pltpu.make_async_copy(g_hbm.at[sidx[0]], rows[p], gsem[p]).wait()

        for i in range(4):
            fire_idx(i, i)
        wait_idx(0)
        fire_gather(0, 0)
        wait_idx(1)
        fire_gather(1, 1)

        @pl.loop(0, CPT // 4)
        def _(kk):
            j0 = 4 * kk
            for i in range(4):
                p = i % 2
                wait_gather(p)
                pltpu.sync_copy(rows[p], acc_sh.at[didx[i]], add=True)
                fire_idx(j0 + i + 4, i)
                wait_idx((i + 2) % 4)
                fire_gather((i + 2) % 4, p)

        for j in (CPT - 2, CPT - 1):
            i = j % 4
            p = j % 2
            wait_gather(p)
            pltpu.sync_copy(rows[p], acc_sh.at[didx[i]], add=True)
        wait_idx(CPT % 4)
        wait_idx((CPT + 1) % 4)
        @pl.when(w < XTRA)
        def _():
            toff = (CPT * NC * NS + w) * CHUNK
            pltpu.async_copy(ei_hbm.at[:, pl.ds(toff, CHUNK)], pair[0],
                             isem[0])
            pltpu.make_async_copy(ei_hbm.at[:, pl.ds(0, CHUNK)], pair[0],
                                  isem[0]).wait()
            pltpu.async_copy(g_hbm.at[sidx[0]], rows[0], gsem[0])
            pltpu.make_async_copy(g_hbm.at[sidx[0]], rows[0],
                                  gsem[0]).wait()
            pltpu.sync_copy(rows[0], acc_sh.at[didx[0]], add=True)

        plsc.subcore_barrier()
        pltpu.sync_copy(acc_sh.at[pl.ds(s * RPT, RPT)],
                        out_hbm.at[pl.ds(c * N_PAD + s * RPT, RPT)])

    return k(g, edge_index)


def _tc_hw(x, W1, b1, Wc):
    BR = 2000

    def body(x_ref, w1_ref, b1_ref, wc_ref, o_ref):
        h = jnp.dot(x_ref[...], w1_ref[...],
                    preferred_element_type=jnp.float32,
                    precision=lax.Precision.DEFAULT)
        h = jnp.maximum(h + b1_ref[...], 0.0)
        o_ref[...] = jnp.dot(h, wc_ref[...],
                             preferred_element_type=jnp.float32,
                             precision=lax.Precision.DEFAULT)

    return pl.pallas_call(
        body,
        grid=(N // BR,),
        in_specs=[
            pl.BlockSpec((BR, D), lambda i: (i, 0)),
            pl.BlockSpec((D, D), lambda i: (0, 0)),
            pl.BlockSpec((1, D), lambda i: (0, 0)),
            pl.BlockSpec((D, D), lambda i: (0, 0)),
        ],
        out_specs=pl.BlockSpec((BR, D), lambda i: (i, 0)),
        out_shape=jax.ShapeDtypeStruct((N, D), jnp.float32),
    )(x, W1, b1.reshape(1, D), Wc)


def _tc_scale(deg0, deg1, hw):
    BR = 1280

    def body(d0_ref, d1_ref, hw_ref, o_ref):
        i = pl.program_id(0)
        deg = 1.0 + d0_ref[pl.ds(i * BR, BR)] + d1_ref[pl.ds(i * BR, BR)]
        dinv = lax.rsqrt(deg).reshape(BR, 1)
        o_ref[...] = dinv * hw_ref[...]

    return pl.pallas_call(
        body,
        grid=(N_PAD // BR,),
        in_specs=[
            pl.BlockSpec((N_PAD,), lambda i: (0,)),
            pl.BlockSpec((N_PAD,), lambda i: (0,)),
            pl.BlockSpec((BR, D), lambda i: (i, 0)),
        ],
        out_specs=pl.BlockSpec((BR, D), lambda i: (i, 0)),
        out_shape=jax.ShapeDtypeStruct((N, D), jnp.float32),
    )(deg0, deg1, hw)


def _tc_final(agg_parts, g, deg0, deg1, bc, Wout, bout):
    BR = 1280

    def body(agg_ref, g_ref, d0_ref, d1_ref, bc_ref, w_ref, bo_ref, o_ref):
        i = pl.program_id(0)
        deg = 1.0 + d0_ref[pl.ds(i * BR, BR)] + d1_ref[pl.ds(i * BR, BR)]
        dinv = lax.rsqrt(deg).reshape(BR, 1)
        ssum = agg_ref[0] + agg_ref[1] + g_ref[...]
        h2 = jnp.maximum(dinv * ssum + bc_ref[...], 0.0)
        o_ref[...] = jnp.dot(h2, w_ref[...],
                             preferred_element_type=jnp.float32,
                             precision=lax.Precision.DEFAULT) + bo_ref[...]

    return pl.pallas_call(
        body,
        grid=(N_PAD // BR,),
        in_specs=[
            pl.BlockSpec((NC, BR, D), lambda i: (0, i, 0)),
            pl.BlockSpec((BR, D), lambda i: (i, 0)),
            pl.BlockSpec((N_PAD,), lambda i: (0,)),
            pl.BlockSpec((N_PAD,), lambda i: (0,)),
            pl.BlockSpec((1, D), lambda i: (0, 0)),
            pl.BlockSpec((D, D), lambda i: (0, 0)),
            pl.BlockSpec((1, D), lambda i: (0, 0)),
        ],
        out_specs=pl.BlockSpec((BR, D), lambda i: (i, 0)),
        out_shape=jax.ShapeDtypeStruct((N, D), jnp.float32),
    )(agg_parts, g, deg0, deg1, bc.reshape(1, D), Wout, bout.reshape(1, D))


def kernel(x, edge_index, W1, b1, Wc, bc, Wout, bout):
    ei = edge_index.astype(jnp.int32)

    deg_flat = _sc_degree(ei)
    deg0, deg1 = deg_flat[:N_PAD], deg_flat[N_PAD:]
    hw = _tc_hw(x, W1, b1, Wc)
    g = _tc_scale(deg0, deg1, hw)
    agg_parts = _sc_aggregate(g, ei).reshape(NC, N_PAD, D)
    return _tc_final(agg_parts, g, deg0, deg1, bc, Wout, bout)

# --- scband reference (transcript-rebuilt; emitter-appended) ---
"""Pipeline reference for scband-gcn-41042707481217 (READ-ONLY COPY).

The authoritative reference and input builder live on the scoring server;
editing this copy changes nothing except your own understanding.
"""

import jax, jax.numpy as jnp
import numpy as np

N_NODES = 10000
N_EDGES = 320000
D_IN = 128
D_HID = 128
D_OUT = 128


def gcn_conv(x, edge_index, W, b):
    # Faithful PyG GCNConv: add self loops, symmetric normalization, sum aggregation.
    N = x.shape[0]
    src = edge_index[0]
    dst = edge_index[1]
    loop = jnp.arange(N, dtype=src.dtype)
    src = jnp.concatenate([src, loop])
    dst = jnp.concatenate([dst, loop])
    h = x @ W  # linear transform first (commutes with linear aggregation)
    ones = jnp.ones(dst.shape[0], dtype=h.dtype)
    deg = jax.ops.segment_sum(ones, dst, num_segments=N)
    dinv = jnp.where(deg > 0, deg ** -0.5, 0.0)
    norm = dinv[src] * dinv[dst]
    msgs = h[src] * norm[:, None]
    out = jax.ops.segment_sum(msgs, dst, num_segments=N)
    return out + b


def setup_inputs(seed: int = 0) -> dict:
    key = jax.random.key(seed)
    k_x, k_e, k1, k2, k3, k4, k5, k6 = jax.random.split(key, 8)
    x = jax.random.normal(k_x, (N_NODES, D_IN), dtype=jnp.float32)
    edge_index = jax.random.randint(k_e, (2, N_EDGES), 0, N_NODES, dtype=jnp.int64)
    s_in = 1.0 / np.sqrt(D_IN)
    s_hid = 1.0 / np.sqrt(D_HID)
    W1 = jax.random.uniform(k1, (D_IN, D_HID), minval=-s_in, maxval=s_in, dtype=jnp.float32)
    b1 = jax.random.uniform(k2, (D_HID,), minval=-s_in, maxval=s_in, dtype=jnp.float32)
    Wc = jax.random.uniform(k3, (D_HID, D_HID), minval=-s_hid, maxval=s_hid, dtype=jnp.float32)
    bc = jax.random.uniform(k4, (D_HID,), minval=-s_hid, maxval=s_hid, dtype=jnp.float32)
    Wout = jax.random.uniform(k5, (D_HID, D_OUT), minval=-s_hid, maxval=s_hid, dtype=jnp.float32)
    bout = jax.random.uniform(k6, (D_OUT,), minval=-s_hid, maxval=s_hid, dtype=jnp.float32)
    return {"x": x, "edge_index": edge_index, "W1": W1, "b1": b1, "Wc": Wc, "bc": bc, "Wout": Wout, "bout": bout}


def reference(x, edge_index, W1, b1, Wc, bc, Wout, bout):
    h = jax.nn.relu(x @ W1 + b1)
    h = jax.nn.relu(gcn_conv(h, edge_index, Wc, bc))
    return h @ Wout + bout

if __name__ == "__main__":
    import jax
    _d = setup_inputs()
    print(jax.jit(kernel)(*tuple(_d.values())))

</pallas_src>

<mosaic_0001>
#map = affine_map<(d0, d1) -> (0, 0)>
#map1 = affine_map<(d0, d1) -> (0)>
module attributes {stable_mosaic.version = 14 : i64} {
  func.func @k(%arg0: i32, %arg1: i32, %arg2: memref<2x320000xi32, #tpu.memory_space<hbm>>, %arg3: memref<20480xf32, #tpu.memory_space<hbm>>, %arg4: memref<2x9984xi32, #tpu.memory_space<vmem>>, %arg5: memref<2x128xi32, #tpu.memory_space<vmem>>, %arg6: memref<10240xf32, #tpu.memory_space<vmem>>, %arg7: memref<16x640xf32, #tpu.memory_space<vmem>>, %arg8: memref<16x16x640xf32, #tpu.memory_space<vmem_shared>>, %arg9: memref<!tpu.dma_semaphore, #tpu.memory_space<semaphore_mem>>) attributes {dimension_semantics = [#tpu.dimension_semantics<core_parallel>, #tpu.dimension_semantics<subcore_parallel>], iteration_bounds = array<i64: 2, 16>, scalar_prefetch = 0 : i64, scratch_operands = 6 : i64, tpu.core_type = #tpu.core_type<sc_vector_subcore>, window_params = [{transform_indices = #map}, {transform_indices = #map1}]} {
    %mul3A = arith.constant 16 : i32
    %mul3A_0 = arith.muli %arg0, %mul3A : i32
    %add3A = arith.addi %mul3A_0, %arg1 : i32
    %mul3A_1 = arith.constant 9984 : i32
    %mul3A_2 = arith.muli %add3A, %mul3A_1 : i32
    %dma_start3A = arith.constant 0 : i32
    %dma_start3A_3 = tpu.memref_slice %arg2[%dma_start3A, %mul3A_2] : memref<2x320000xi32, #tpu.memory_space<hbm>> -> memref<2x9984xi32, #tpu.memory_space<hbm>>
    %dma_start3A_4 = arith.constant 0 : i32
    %dma_start3A_5 = tpu.memref_slice %arg2[%dma_start3A_4, %mul3A_2] : memref<2x320000xi32, #tpu.memory_space<hbm>> -> memref<2x9984xi32, #tpu.memory_space<hbm>>
    tpu.enqueue_dma source(%dma_start3A_5 : memref<2x9984xi32, #tpu.memory_space<hbm>>) target(%arg4 : memref<2x9984xi32, #tpu.memory_space<vmem>>) target_semaphore(%arg9 : memref<!tpu.dma_semaphore, #tpu.memory_space<semaphore_mem>>)
    %lt3A = arith.constant 4 : i32
    %lt3A_6 = arith.cmpi slt, %add3A, %lt3A : i32
    %convert_element_type3A = arith.extui %lt3A_6 : i1 to i32
    %cond3A = arith.constant 0 : i32
    %cond3A_7 = arith.cmpi ne, %convert_element_type3A, %cond3A : i32
    scf.if %cond3A_7 {
      %add3A_45 = arith.constant 2496 : i32
      %add3A_46 = arith.addi %add3A_45, %add3A : i32
      %mul3A_47 = arith.constant 128 : i32
      %mul3A_48 = arith.muli %add3A_46, %mul3A_47 : i32
      %dma_start3A_49 = arith.constant 0 : i32
      %dma_start3A_50 = tpu.memref_slice %arg2[%dma_start3A_49, %mul3A_48] : memref<2x320000xi32, #tpu.memory_space<hbm>> -> memref<2x128xi32, #tpu.memory_space<hbm>>
      %dma_start3A_51 = arith.constant 0 : i32
      %dma_start3A_52 = tpu.memref_slice %arg2[%dma_start3A_51, %mul3A_48] : memref<2x320000xi32, #tpu.memory_space<hbm>> -> memref<2x128xi32, #tpu.memory_space<hbm>>
      tpu.enqueue_dma source(%dma_start3A_52 : memref<2x128xi32, #tpu.memory_space<hbm>>) target(%arg5 : memref<2x128xi32, #tpu.memory_space<vmem>>) target_semaphore(%arg9 : memref<!tpu.dma_semaphore, #tpu.memory_space<semaphore_mem>>)
    } else {
    }
    %broadcast_in_dim3A = arith.constant 0.000000e+00 : f32
    %broadcast_in_dim3A_8 = vector.broadcast %broadcast_in_dim3A : f32 to vector<16xf32>
    %scan3A = arith.constant 0 : i32
    %scan3A_9 = arith.constant 640 : i32
    %scan3A_10 = arith.addi %scan3A, %scan3A_9 : i32
    %scan3A_11 = arith.constant 1 : i32
    scf.for %scan3A_45 = %scan3A to %scan3A_10 step %scan3A_11  : i32 {
      %mul3A_46 = arith.constant 1 : i32
      %mul3A_47 = arith.muli %scan3A_45, %mul3A_46 : i32
      %add3A_48 = arith.constant 0 : i32
      %add3A_49 = arith.addi %add3A_48, %mul3A_47 : i32
      %mul3A_50 = arith.constant 16 : i32
      %mul3A_51 = arith.muli %mul3A_50, %add3A_49 : i32
      %swap3A = arith.index_cast %mul3A_51 : i32 to index
      %swap3A_52 = tpu.vector_load %arg6[%swap3A] {strides = array<i32>} : memref<10240xf32, #tpu.memory_space<vmem>>, vector<16xf32>,
      tpu.vector_store %arg6[%swap3A], %broadcast_in_dim3A_8 {strides = array<i32>} : memref<10240xf32, #tpu.memory_space<vmem>>, vector<16xf32>,
    }
    %scan3A_12 = arith.constant 640 : i32
    %dma_wait3A = arith.constant 0 : i32
    %dma_wait3A_13 = arith.constant 0 : i32
    %dma_wait3A_14 = tpu.memref_slice %arg2[%dma_wait3A, %dma_wait3A_13] : memref<2x320000xi32, #tpu.memory_space<hbm>> -> memref<2x9984xi32, #tpu.memory_space<hbm>>
    %dma_wait3A_15 = arith.constant 0 : i32
    %dma_wait3A_16 = arith.constant 0 : i32
    %dma_wait3A_17 = tpu.memref_slice %arg2[%dma_wait3A_15, %dma_wait3A_16] : memref<2x320000xi32, #tpu.memory_space<hbm>> -> memref<2x9984xi32, #tpu.memory_space<hbm>>
    tpu.wait_dma2 semaphore(%arg9 : memref<!tpu.dma_semaphore, #tpu.memory_space<semaphore_mem>>) src(%dma_wait3A_17 : memref<2x9984xi32, #tpu.memory_space<hbm>>) dst(%arg4 : memref<2x9984xi32, #tpu.memory_space<vmem>>)
    %broadcast_in_dim3A_18 = arith.constant 1.000000e+00 : f32
    %broadcast_in_dim3A_19 = vector.broadcast %broadcast_in_dim3A_18 : f32 to vector<16xf32>
    %scan3A_20 = arith.constant 0 : i32
    %scan3A_21 = arith.constant 624 : i32
    %scan3A_22 = arith.addi %scan3A_20, %scan3A_21 : i32
    %scan3A_23 = arith.constant 1 : i32
    scf.for %scan3A_45 = %scan3A_20 to %scan3A_22 step %scan3A_23  : i32 {
      %mul3A_46 = arith.constant 1 : i32
      %mul3A_47 = arith.muli %scan3A_45, %mul3A_46 : i32
      %add3A_48 = arith.constant 0 : i32
      %add3A_49 = arith.addi %add3A_48, %mul3A_47 : i32
      %mul3A_50 = arith.constant 16 : i32
      %mul3A_51 = arith.muli %mul3A_50, %add3A_49 : i32
      %get3A = arith.constant 1 : i32
      %get3A_52 = arith.index_cast %get3A : i32 to index
      %get3A_53 = arith.index_cast %mul3A_51 : i32 to index
      %get3A_54 = tpu.vector_load %arg4[%get3A_52, %get3A_53] {strides = array<i32>} : memref<2x9984xi32, #tpu.memory_space<vmem>>, vector<16xi32>,
      tpu.vector_store_idx %arg6[%get3A_54], %broadcast_in_dim3A_19 {add = true} : memref<10240xf32, #tpu.memory_space<vmem>>[vector<16xi32>], vector<16xf32>,
    }
    %scan3A_24 = arith.constant 624 : i32
    %lt3A_25 = arith.constant 4 : i32
    %lt3A_26 = arith.cmpi slt, %add3A, %lt3A_25 : i32
    %convert_element_type3A_27 = arith.extui %lt3A_26 : i1 to i32
    %cond3A_28 = arith.constant 0 : i32
    %cond3A_29 = arith.cmpi ne, %convert_element_type3A_27, %cond3A_28 : i32
    scf.if %cond3A_29 {
      %dma_wait3A_45 = arith.constant 0 : i32
      %dma_wait3A_46 = arith.constant 0 : i32
      %dma_wait3A_47 = tpu.memref_slice %arg2[%dma_wait3A_45, %dma_wait3A_46] : memref<2x320000xi32, #tpu.memory_space<hbm>> -> memref<2x128xi32, #tpu.memory_space<hbm>>
      %dma_wait3A_48 = arith.constant 0 : i32
      %dma_wait3A_49 = arith.constant 0 : i32
      %dma_wait3A_50 = tpu.memref_slice %arg2[%dma_wait3A_48, %dma_wait3A_49] : memref<2x320000xi32, #tpu.memory_space<hbm>> -> memref<2x128xi32, #tpu.memory_space<hbm>>
      tpu.wait_dma2 semaphore(%arg9 : memref<!tpu.dma_semaphore, #tpu.memory_space<semaphore_mem>>) src(%dma_wait3A_50 : memref<2x128xi32, #tpu.memory_space<hbm>>) dst(%arg5 : memref<2x128xi32, #tpu.memory_space<vmem>>)
      %scan3A_51 = arith.constant 0 : i32
      %scan3A_52 = arith.constant 8 : i32
      %scan3A_53 = arith.addi %scan3A_51, %scan3A_52 : i32
      %scan3A_54 = arith.constant 1 : i32
      scf.for %scan3A_56 = %scan3A_51 to %scan3A_53 step %scan3A_54  : i32 {
        %mul3A_57 = arith.constant 1 : i32
        %mul3A_58 = arith.muli %scan3A_56, %mul3A_57 : i32
        %add3A_59 = arith.constant 0 : i32
        %add3A_60 = arith.addi %add3A_59, %mul3A_58 : i32
        %mul3A_61 = arith.constant 16 : i32
        %mul3A_62 = arith.muli %mul3A_61, %add3A_60 : i32
        %get3A = arith.constant 1 : i32
        %get3A_63 = arith.index_cast %get3A : i32 to index
        %get3A_64 = arith.index_cast %mul3A_62 : i32 to index
        %get3A_65 = tpu.vector_load %arg5[%get3A_63, %get3A_64] {strides = array<i32>} : memref<2x128xi32, #tpu.memory_space<vmem>>, vector<16xi32>,
        tpu.vector_store_idx %arg6[%get3A_65], %broadcast_in_dim3A_19 {add = true} : memref<10240xf32, #tpu.memory_space<vmem>>[vector<16xi32>], vector<16xf32>,
      }
      %scan3A_55 = arith.constant 8 : i32
    } else {
    }
    %scan3A_30 = arith.constant 0 : i32
    %scan3A_31 = arith.constant 16 : i32
    %scan3A_32 = arith.addi %scan3A_30, %scan3A_31 : i32
    %scan3A_33 = arith.constant 1 : i32
    scf.for %scan3A_45 = %scan3A_30 to %scan3A_32 step %scan3A_33  : i32 {
      %mul3A_46 = arith.constant 1 : i32
      %mul3A_47 = arith.muli %scan3A_45, %mul3A_46 : i32
      %add3A_48 = arith.constant 0 : i32
      %add3A_49 = arith.addi %add3A_48, %mul3A_47 : i32
      %mul3A_50 = arith.constant 640 : i32
      %mul3A_51 = arith.muli %add3A_49, %mul3A_50 : i32
      "tpu.region"() ({
        %run_scoped3A = tpu.sem_alloc : memref<!tpu.dma_semaphore, #tpu.memory_space<semaphore_mem>>
        %dma_start3A_52 = tpu.memref_slice %arg6[%mul3A_51] : memref<10240xf32, #tpu.memory_space<vmem>> -> memref<640xf32, #tpu.memory_space<vmem>>
        %dma_start3A_53 = arith.constant 0 : i32
        %dma_start3A_54 = tpu.memref_slice %arg8[%add3A_49, %arg1, %dma_start3A_53] : memref<16x16x640xf32, #tpu.memory_space<vmem_shared>> -> memref<1x1x640xf32, #tpu.memory_space<vmem_shared>>
        %dma_start3A_55 = tpu.memref_squeeze %dma_start3A_54 : memref<1x1x640xf32, #tpu.memory_space<vmem_shared>> -> memref<640xf32, #tpu.memory_space<vmem_shared>>
        %dma_start3A_56 = arith.constant 0 : i32
        %dma_start3A_57 = tpu.memref_slice %arg8[%add3A_49, %arg1, %dma_start3A_56] : memref<16x16x640xf32, #tpu.memory_space<vmem_shared>> -> memref<1x1x640xf32, #tpu.memory_space<vmem_shared>>
        %dma_start3A_58 = tpu.memref_squeeze %dma_start3A_57 : memref<1x1x640xf32, #tpu.memory_space<vmem_shared>> -> memref<640xf32, #tpu.memory_space<vmem_shared>>
        %dma_start3A_59 = tpu.memref_slice %arg6[%mul3A_51] : memref<10240xf32, #tpu.memory_space<vmem>> -> memref<640xf32, #tpu.memory_space<vmem>>
        tpu.enqueue_dma source(%dma_start3A_59 : memref<640xf32, #tpu.memory_space<vmem>>) target(%dma_start3A_58 : memref<640xf32, #tpu.memory_space<vmem_shared>>) target_semaphore(%run_scoped3A : memref<!tpu.dma_semaphore, #tpu.memory_space<semaphore_mem>>)
        %dma_wait3A_60 = tpu.memref_slice %arg6[%mul3A_51] : memref<10240xf32, #tpu.memory_space<vmem>> -> memref<640xf32, #tpu.memory_space<vmem>>
        %dma_wait3A_61 = arith.constant 0 : i32
        %dma_wait3A_62 = tpu.memref_slice %arg8[%add3A_49, %arg1, %dma_wait3A_61] : memref<16x16x640xf32, #tpu.memory_space<vmem_shared>> -> memref<1x1x640xf32, #tpu.memory_space<vmem_shared>>
        %dma_wait3A_63 = tpu.memref_squeeze %dma_wait3A_62 : memref<1x1x640xf32, #tpu.memory_space<vmem_shared>> -> memref<640xf32, #tpu.memory_space<vmem_shared>>
        %dma_wait3A_64 = arith.constant 0 : i32
        %dma_wait3A_65 = tpu.memref_slice %arg8[%add3A_49, %arg1, %dma_wait3A_64] : memref<16x16x640xf32, #tpu.memory_space<vmem_shared>> -> memref<1x1x640xf32, #tpu.memory_space<vmem_shared>>
        %dma_wait3A_66 = tpu.memref_squeeze %dma_wait3A_65 : memref<1x1x640xf32, #tpu.memory_space<vmem_shared>> -> memref<640xf32, #tpu.memory_space<vmem_shared>>
        %dma_wait3A_67 = tpu.memref_slice %arg6[%mul3A_51] : memref<10240xf32, #tpu.memory_space<vmem>> -> memref<640xf32, #tpu.memory_space<vmem>>
        tpu.wait_dma2 semaphore(%run_scoped3A : memref<!tpu.dma_semaphore, #tpu.memory_space<semaphore_mem>>) src(%dma_wait3A_67 : memref<640xf32, #tpu.memory_space<vmem>>) dst(%dma_wait3A_66 : memref<640xf32, #tpu.memory_space<vmem_shared>>)
        tpu.yield
      }) : () -> ()
    }
    %scan3A_34 = arith.constant 16 : i32
    %barrier3A = arith.constant 0 : index
    tpu.barrier barrier_id(%barrier3A)
    "tpu.region"() ({
      %run_scoped3A = tpu.sem_alloc : memref<!tpu.dma_semaphore, #tpu.memory_space<semaphore_mem>>
      %dma_start3A_45 = arith.constant 0 : i32
      %dma_start3A_46 = arith.constant 0 : i32
      %dma_start3A_47 = tpu.memref_slice %arg8[%arg1, %dma_start3A_45, %dma_start3A_46] : memref<16x16x640xf32, #tpu.memory_space<vmem_shared>> -> memref<1x16x640xf32, #tpu.memory_space<vmem_shared>>
      %dma_start3A_48 = tpu.memref_squeeze %dma_start3A_47 : memref<1x16x640xf32, #tpu.memory_space<vmem_shared>> -> memref<16x640xf32, #tpu.memory_space<vmem_shared>>
      %dma_start3A_49 = arith.constant 0 : i32
      %dma_start3A_50 = arith.constant 0 : i32
      %dma_start3A_51 = tpu.memref_slice %arg8[%arg1, %dma_start3A_49, %dma_start3A_50] : memref<16x16x640xf32, #tpu.memory_space<vmem_shared>> -> memref<1x16x640xf32, #tpu.memory_space<vmem_shared>>
      %dma_start3A_52 = tpu.memref_squeeze %dma_start3A_51 : memref<1x16x640xf32, #tpu.memory_space<vmem_shared>> -> memref<16x640xf32, #tpu.memory_space<vmem_shared>>
      tpu.enqueue_dma source(%dma_start3A_52 : memref<16x640xf32, #tpu.memory_space<vmem_shared>>) target(%arg7 : memref<16x640xf32, #tpu.memory_space<vmem>>) target_semaphore(%run_scoped3A : memref<!tpu.dma_semaphore, #tpu.memory_space<semaphore_mem>>)
      %dma_wait3A_53 = arith.constant 0 : i32
      %dma_wait3A_54 = arith.constant 0 : i32
      %dma_wait3A_55 = tpu.memref_slice %arg8[%arg1, %dma_wait3A_53, %dma_wait3A_54] : memref<16x16x640xf32, #tpu.memory_space<vmem_shared>> -> memref<1x16x640xf32, #tpu.memory_space<vmem_shared>>
      %dma_wait3A_56 = tpu.memref_squeeze %dma_wait3A_55 : memref<1x16x640xf32, #tpu.memory_space<vmem_shared>> -> memref<16x640xf32, #tpu.memory_space<vmem_shared>>
      %dma_wait3A_57 = arith.constant 0 : i32
      %dma_wait3A_58 = arith.constant 0 : i32
      %dma_wait3A_59 = tpu.memref_slice %arg8[%arg1, %dma_wait3A_57, %dma_wait3A_58] : memref<16x16x640xf32, #tpu.memory_space<vmem_shared>> -> memref<1x16x640xf32, #tpu.memory_space<vmem_shared>>
      %dma_wait3A_60 = tpu.memref_squeeze %dma_wait3A_59 : memref<1x16x640xf32, #tpu.memory_space<vmem_shared>> -> memref<16x640xf32, #tpu.memory_space<vmem_shared>>
      tpu.wait_dma2 semaphore(%run_scoped3A : memref<!tpu.dma_semaphore, #tpu.memory_space<semaphore_mem>>) src(%dma_wait3A_60 : memref<16x640xf32, #tpu.memory_space<vmem_shared>>) dst(%arg7 : memref<16x640xf32, #tpu.memory_space<vmem>>)
      tpu.yield
    }) : () -> ()
    %scan3A_35 = arith.constant 0 : i32
    %scan3A_36 = arith.constant 40 : i32
    %scan3A_37 = arith.addi %scan3A_35, %scan3A_36 : i32
    %scan3A_38 = arith.constant 1 : i32
    scf.for %scan3A_45 = %scan3A_35 to %scan3A_37 step %scan3A_38  : i32 {
      %mul3A_46 = arith.constant 1 : i32
      %mul3A_47 = arith.muli %scan3A_45, %mul3A_46 : i32
      %add3A_48 = arith.constant 0 : i32
      %add3A_49 = arith.addi %add3A_48, %mul3A_47 : i32
      %mul3A_50 = arith.constant 16 : i32
      %mul3A_51 = arith.muli %mul3A_50, %add3A_49 : i32
      %get3A = arith.constant 0 : i32
      %get3A_52 = arith.index_cast %get3A : i32 to index
      %get3A_53 = arith.index_cast %mul3A_51 : i32 to index
      %get3A_54 = tpu.vector_load %arg7[%get3A_52, %get3A_53] {strides = array<i32>} : memref<16x640xf32, #tpu.memory_space<vmem>>, vector<16xf32>,
      %mul3A_55 = arith.constant 16 : i32
      %mul3A_56 = arith.muli %mul3A_55, %add3A_49 : i32
      %get3A_57 = arith.constant 1 : i32
      %get3A_58 = arith.index_cast %get3A_57 : i32 to index
      %get3A_59 = arith.index_cast %mul3A_56 : i32 to index
      %get3A_60 = tpu.vector_load %arg7[%get3A_58, %get3A_59] {strides = array<i32>} : memref<16x640xf32, #tpu.memory_space<vmem>>, vector<16xf32>,
      %add3A_61 = arith.addf %get3A_54, %get3A_60 : vector<16xf32>
      %mul3A_62 = arith.constant 16 : i32
      %mul3A_63 = arith.muli %mul3A_62, %add3A_49 : i32
      %get3A_64 = arith.constant 2 : i32
      %get3A_65 = arith.index_cast %get3A_64 : i32 to index
      %get3A_66 = arith.index_cast %mul3A_63 : i32 to index
      %get3A_67 = tpu.vector_load %arg7[%get3A_65, %get3A_66] {strides = array<i32>} : memref<16x640xf32, #tpu.memory_space<vmem>>, vector<16xf32>,
      %add3A_68 = arith.addf %add3A_61, %get3A_67 : vector<16xf32>
      %mul3A_69 = arith.constant 16 : i32
      %mul3A_70 = arith.muli %mul3A_69, %add3A_49 : i32
      %get3A_71 = arith.constant 3 : i32
      %get3A_72 = arith.index_cast %get3A_71 : i32 to index
      %get3A_73 = arith.index_cast %mul3A_70 : i32 to index
      %get3A_74 = tpu.vector_load %arg7[%get3A_72, %get3A_73] {strides = array<i32>} : memref<16x640xf32, #tpu.memory_space<vmem>>, vector<16xf32>,
      %add3A_75 = arith.addf %add3A_68, %get3A_74 : vector<16xf32>
      %mul3A_76 = arith.constant 16 : i32
      %mul3A_77 = arith.muli %mul3A_76, %add3A_49 : i32
      %get3A_78 = arith.constant 4 : i32
      %get3A_79 = arith.index_cast %get3A_78 : i32 to index
      %get3A_80 = arith.index_cast %mul3A_77 : i32 to index
      %get3A_81 = tpu.vector_load %arg7[%get3A_79, %get3A_80] {strides = array<i32>} : memref<16x640xf32, #tpu.memory_space<vmem>>, vector<16xf32>,
      %add3A_82 = arith.addf %add3A_75, %get3A_81 : vector<16xf32>
      %mul3A_83 = arith.constant 16 : i32
      %mul3A_84 = arith.muli %mul3A_83, %add3A_49 : i32
      %get3A_85 = arith.constant 5 : i32
      %get3A_86 = arith.index_cast %get3A_85 : i32 to index
      %get3A_87 = arith.index_cast %mul3A_84 : i32 to index
      %get3A_88 = tpu.vector_load %arg7[%get3A_86, %get3A_87] {strides = array<i32>} : memref<16x640xf32, #tpu.memory_space<vmem>>, vector<16xf32>,
      %add3A_89 = arith.addf %add3A_82, %get3A_88 : vector<16xf32>
      %mul3A_90 = arith.constant 16 : i32
      %mul3A_91 = arith.muli %mul3A_90, %add3A_49 : i32
      %get3A_92 = arith.constant 6 : i32
      %get3A_93 = arith.index_cast %get3A_92 : i32 to index
      %get3A_94 = arith.index_cast %mul3A_91 : i32 to index
      %get3A_95 = tpu.vector_load %arg7[%get3A_93, %get3A_94] {strides = array<i32>} : memref<16x640xf32, #tpu.memory_space<vmem>>, vector<16xf32>,
      %add3A_96 = arith.addf %add3A_89, %get3A_95 : vector<16xf32>
      %mul3A_97 = arith.constant 16 : i32
      %mul3A_98 = arith.muli %mul3A_97, %add3A_49 : i32
      %get3A_99 = arith.constant 7 : i32
      %get3A_100 = arith.index_cast %get3A_99 : i32 to index
      %get3A_101 = arith.index_cast %mul3A_98 : i32 to index
      %get3A_102 = tpu.vector_load %arg7[%get3A_100, %get3A_101] {strides = array<i32>} : memref<16x640xf32, #tpu.memory_space<vmem>>, vector<16xf32>,
      %add3A_103 = arith.addf %add3A_96, %get3A_102 : vector<16xf32>
      %mul3A_104 = arith.constant 16 : i32
      %mul3A_105 = arith.muli %mul3A_104, %add3A_49 : i32
      %get3A_106 = arith.constant 8 : i32
      %get3A_107 = arith.index_cast %get3A_106 : i32 to index
      %get3A_108 = arith.index_cast %mul3A_105 : i32 to index
      %get3A_109 = tpu.vector_load %arg7[%get3A_107, %get3A_108] {strides = array<i32>} : memref<16x640xf32, #tpu.memory_space<vmem>>, vector<16xf32>,
      %add3A_110 = arith.addf %add3A_103, %get3A_109 : vector<16xf32>
      %mul3A_111 = arith.constant 16 : i32
      %mul3A_112 = arith.muli %mul3A_111, %add3A_49 : i32
      %get3A_113 = arith.constant 9 : i32
      %get3A_114 = arith.index_cast %get3A_113 : i32 to index
      %get3A_115 = arith.index_cast %mul3A_112 : i32 to index
      %get3A_116 = tpu.vector_load %arg7[%get3A_114, %get3A_115] {strides = array<i32>} : memref<16x640xf32, #tpu.memory_space<vmem>>, vector<16xf32>,
      %add3A_117 = arith.addf %add3A_110, %get3A_116 : vector<16xf32>
      %mul3A_118 = arith.constant 16 : i32
      %mul3A_119 = arith.muli %mul3A_118, %add3A_49 : i32
      %get3A_120 = arith.constant 10 : i32
      %get3A_121 = arith.index_cast %get3A_120 : i32 to index
      %get3A_122 = arith.index_cast %mul3A_119 : i32 to index
      %get3A_123 = tpu.vector_load %arg7[%get3A_121, %get3A_122] {strides = array<i32>} : memref<16x640xf32, #tpu.memory_space<vmem>>, vector<16xf32>,
      %add3A_124 = arith.addf %add3A_117, %get3A_123 : vector<16xf32>
      %mul3A_125 = arith.constant 16 : i32
      %mul3A_126 = arith.muli %mul3A_125, %add3A_49 : i32
      %get3A_127 = arith.constant 11 : i32
      %get3A_128 = arith.index_cast %get3A_127 : i32 to index
      %get3A_129 = arith.index_cast %mul3A_126 : i32 to index
      %get3A_130 = tpu.vector_load %arg7[%get3A_128, %get3A_129] {strides = array<i32>} : memref<16x640xf32, #tpu.memory_space<vmem>>, vector<16xf32>,
      %add3A_131 = arith.addf %add3A_124, %get3A_130 : vector<16xf32>
      %mul3A_132 = arith.constant 16 : i32
      %mul3A_133 = arith.muli %mul3A_132, %add3A_49 : i32
      %get3A_134 = arith.constant 12 : i32
      %get3A_135 = arith.index_cast %get3A_134 : i32 to index
      %get3A_136 = arith.index_cast %mul3A_133 : i32 to index
      %get3A_137 = tpu.vector_load %arg7[%get3A_135, %get3A_136] {strides = array<i32>} : memref<16x640xf32, #tpu.memory_space<vmem>>, vector<16xf32>,
      %add3A_138 = arith.addf %add3A_131, %get3A_137 : vector<16xf32>
      %mul3A_139 = arith.constant 16 : i32
      %mul3A_140 = arith.muli %mul3A_139, %add3A_49 : i32
      %get3A_141 = arith.constant 13 : i32
      %get3A_142 = arith.index_cast %get3A_141 : i32 to index
      %get3A_143 = arith.index_cast %mul3A_140 : i32 to index
      %get3A_144 = tpu.vector_load %arg7[%get3A_142, %get3A_143] {strides = array<i32>} : memref<16x640xf32, #tpu.memory_space<vmem>>, vector<16xf32>,
      %add3A_145 = arith.addf %add3A_138, %get3A_144 : vector<16xf32>
      %mul3A_146 = arith.constant 16 : i32
      %mul3A_147 = arith.muli %mul3A_146, %add3A_49 : i32
      %get3A_148 = arith.constant 14 : i32
      %get3A_149 = arith.index_cast %get3A_148 : i32 to index
      %get3A_150 = arith.index_cast %mul3A_147 : i32 to index
      %get3A_151 = tpu.vector_load %arg7[%get3A_149, %get3A_150] {strides = array<i32>} : memref<16x640xf32, #tpu.memory_space<vmem>>, vector<16xf32>,
      %add3A_152 = arith.addf %add3A_145, %get3A_151 : vector<16xf32>
      %mul3A_153 = arith.constant 16 : i32
      %mul3A_154 = arith.muli %mul3A_153, %add3A_49 : i32
      %get3A_155 = arith.constant 15 : i32
      %get3A_156 = arith.index_cast %get3A_155 : i32 to index
      %get3A_157 = arith.index_cast %mul3A_154 : i32 to index
      %get3A_158 = tpu.vector_load %arg7[%get3A_156, %get3A_157] {strides = array<i32>} : memref<16x640xf32, #tpu.memory_space<vmem>>, vector<16xf32>,
      %add3A_159 = arith.addf %add3A_152, %get3A_158 : vector<16xf32>
      %mul3A_160 = arith.constant 16 : i32
      %mul3A_161 = arith.muli %mul3A_160, %add3A_49 : i32
      %swap3A = arith.index_cast %mul3A_161 : i32 to index
      %swap3A_162 = tpu.vector_load %arg6[%swap3A] {strides = array<i32>} : memref<10240xf32, #tpu.memory_space<vmem>>, vector<16xf32>,
      tpu.vector_store %arg6[%swap3A], %add3A_159 {strides = array<i32>} : memref<10240xf32, #tpu.memory_space<vmem>>, vector<16xf32>,
    }
    %scan3A_39 = arith.constant 40 : i32
    %mul3A_40 = arith.constant 10240 : i32
    %mul3A_41 = arith.muli %arg0, %mul3A_40 : i32
    %mul3A_42 = arith.constant 640 : i32
    %mul3A_43 = arith.muli %arg1, %mul3A_42 : i32
    %add3A_44 = arith.addi %mul3A_41, %mul3A_43 : i32
    "tpu.region"() ({
      %run_scoped3A = tpu.sem_alloc : memref<!tpu.dma_semaphore, #tpu.memory_space<semaphore_mem>>
      %dma_start3A_45 = arith.constant 0 : i32
      %dma_start3A_46 = tpu.memref_slice %arg6[%dma_start3A_45] : memref<10240xf32, #tpu.memory_space<vmem>> -> memref<640xf32, #tpu.memory_space<vmem>>
      %dma_start3A_47 = tpu.memref_slice %arg3[%add3A_44] : memref<20480xf32, #tpu.memory_space<hbm>> -> memref<640xf32, #tpu.memory_space<hbm>>
      %dma_start3A_48 = tpu.memref_slice %arg3[%add3A_44] : memref<20480xf32, #tpu.memory_space<hbm>> -> memref<640xf32, #tpu.memory_space<hbm>>
      %dma_start3A_49 = arith.constant 0 : i32
      %dma_start3A_50 = tpu.memref_slice %arg6[%dma_start3A_49] : memref<10240xf32, #tpu.memory_space<vmem>> -> memref<640xf32, #tpu.memory_space<vmem>>
      tpu.enqueue_dma source(%dma_start3A_50 : memref<640xf32, #tpu.memory_space<vmem>>) target(%dma_start3A_48 : memref<640xf32, #tpu.memory_space<hbm>>) target_semaphore(%run_scoped3A : memref<!tpu.dma_semaphore, #tpu.memory_space<semaphore_mem>>)
      %dma_wait3A_51 = arith.constant 0 : i32
      %dma_wait3A_52 = tpu.memref_slice %arg6[%dma_wait3A_51] : memref<10240xf32, #tpu.memory_space<vmem>> -> memref<640xf32, #tpu.memory_space<vmem>>
      %dma_wait3A_53 = tpu.memref_slice %arg3[%add3A_44] : memref<20480xf32, #tpu.memory_space<hbm>> -> memref<640xf32, #tpu.memory_space<hbm>>
      %dma_wait3A_54 = tpu.memref_slice %arg3[%add3A_44] : memref<20480xf32, #tpu.memory_space<hbm>> -> memref<640xf32, #tpu.memory_space<hbm>>
      %dma_wait3A_55 = arith.constant 0 : i32
      %dma_wait3A_56 = tpu.memref_slice %arg6[%dma_wait3A_55] : memref<10240xf32, #tpu.memory_space<vmem>> -> memref<640xf32, #tpu.memory_space<vmem>>
      tpu.wait_dma2 semaphore(%run_scoped3A : memref<!tpu.dma_semaphore, #tpu.memory_space<semaphore_mem>>) src(%dma_wait3A_56 : memref<640xf32, #tpu.memory_space<vmem>>) dst(%dma_wait3A_54 : memref<640xf32, #tpu.memory_space<hbm>>)
      tpu.yield
    }) : () -> ()
    return
  }
}

#map = affine_map<(d0, d1) -> (0, 0)>
module attributes {stable_mosaic.version = 14 : i64} {
  func.func @k(%arg0: i32, %arg1: i32, %arg2: memref<10000x128xf32, #tpu.memory_space<hbm>>, %arg3: memref<2x320000xi32, #tpu.memory_space<hbm>>, %arg4: memref<20480x128xf32, #tpu.memory_space<hbm>>, %arg5: memref<2x128xi32, #tpu.memory_space<vmem>>, %arg6: memref<2x128xi32, #tpu.memory_space<vmem>>, %arg7: memref<2x128xi32, #tpu.memory_space<vmem>>, %arg8: memref<2x128xi32, #tpu.memory_space<vmem>>, %arg9: memref<128x128xf32, #tpu.memory_space<vmem>>, %arg10: memref<128x128xf32, #tpu.memory_space<vmem>>, %arg11: memref<10240x128xf32, #tpu.memory_space<vmem_shared>>, %arg12: memref<!tpu.dma_semaphore, #tpu.memory_space<semaphore_mem>>, %arg13: memref<!tpu.dma_semaphore, #tpu.memory_space<semaphore_mem>>, %arg14: memref<!tpu.dma_semaphore, #tpu.memory_space<semaphore_mem>>, %arg15: memref<!tpu.dma_semaphore, #tpu.memory_space<semaphore_mem>>, %arg16: memref<!tpu.dma_semaphore, #tpu.memory_space<semaphore_mem>>, %arg17: memref<!tpu.dma_semaphore, #tpu.memory_space<semaphore_mem>>) attributes {dimension_semantics = [#tpu.dimension_semantics<core_parallel>, #tpu.dimension_semantics<subcore_parallel>], iteration_bounds = array<i64: 2, 16>, scalar_prefetch = 0 : i64, scratch_operands = 13 : i64, tpu.core_type = #tpu.core_type<sc_vector_subcore>, window_params = [{transform_indices = #map}, {transform_indices = #map}, {transform_indices = #map}]} {
    %mul3A = arith.constant 16 : i32
    %mul3A_0 = arith.muli %arg0, %mul3A : i32
    %add3A = arith.addi %mul3A_0, %arg1 : i32
    %mul3A_1 = arith.constant 9984 : i32
    %mul3A_2 = arith.muli %add3A, %mul3A_1 : i32
    %broadcast_in_dim3A = arith.constant 0.000000e+00 : f32
    %broadcast_in_dim3A_3 = vector.broadcast %broadcast_in_dim3A : f32 to vector<16xf32>
    %scan3A = arith.constant 0 : i32
    %scan3A_4 = arith.constant 128 : i32
    %scan3A_5 = arith.addi %scan3A, %scan3A_4 : i32
    %scan3A_6 = arith.constant 1 : i32
    scf.for %scan3A_135 = %scan3A to %scan3A_5 step %scan3A_6  : i32 {
      %mul3A_136 = arith.constant 1 : i32
      %mul3A_137 = arith.muli %scan3A_135, %mul3A_136 : i32
      %add3A_138 = arith.constant 0 : i32
      %add3A_139 = arith.addi %add3A_138, %mul3A_137 : i32
      %swap3A = arith.index_cast %add3A_139 : i32 to index
      %swap3A_140 = arith.constant 0 : index
      %swap3A_141 = tpu.vector_load %arg9[%swap3A, %swap3A_140] {strides = array<i32>} : memref<128x128xf32, #tpu.memory_space<vmem>>, vector<1x16xf32>,
      %swap3A_142 = vector.shape_cast %swap3A_141 : vector<1x16xf32> to vector<16xf32>
      %swap3A_143 = vector.shape_cast %broadcast_in_dim3A_3 : vector<16xf32> to vector<1x16xf32>
      tpu.vector_store %arg9[%swap3A, %swap3A_140], %swap3A_143 {strides = array<i32>} : memref<128x128xf32, #tpu.memory_space<vmem>>, vector<1x16xf32>,
      %swap3A_144 = arith.index_cast %add3A_139 : i32 to index
      %swap3A_145 = arith.constant 16 : index
      %swap3A_146 = tpu.vector_load %arg9[%swap3A_144, %swap3A_145] {strides = array<i32>} : memref<128x128xf32, #tpu.memory_space<vmem>>, vector<1x16xf32>,
      %swap3A_147 = vector.shape_cast %swap3A_146 : vector<1x16xf32> to vector<16xf32>
      %swap3A_148 = vector.shape_cast %broadcast_in_dim3A_3 : vector<16xf32> to vector<1x16xf32>
      tpu.vector_store %arg9[%swap3A_144, %swap3A_145], %swap3A_148 {strides = array<i32>} : memref<128x128xf32, #tpu.memory_space<vmem>>, vector<1x16xf32>,
      %swap3A_149 = arith.index_cast %add3A_139 : i32 to index
      %swap3A_150 = arith.constant 32 : index
      %swap3A_151 = tpu.vector_load %arg9[%swap3A_149, %swap3A_150] {strides = array<i32>} : memref<128x128xf32, #tpu.memory_space<vmem>>, vector<1x16xf32>,
      %swap3A_152 = vector.shape_cast %swap3A_151 : vector<1x16xf32> to vector<16xf32>
      %swap3A_153 = vector.shape_cast %broadcast_in_dim3A_3 : vector<16xf32> to vector<1x16xf32>
      tpu.vector_store %arg9[%swap3A_149, %swap3A_150], %swap3A_153 {strides = array<i32>} : memref<128x128xf32, #tpu.memory_space<vmem>>, vector<1x16xf32>,
      %swap3A_154 = arith.index_cast %add3A_139 : i32 to index
      %swap3A_155 = arith.constant 48 : index
      %swap3A_156 = tpu.vector_load %arg9[%swap3A_154, %swap3A_155] {strides = array<i32>} : memref<128x128xf32, #tpu.memory_space<vmem>>, vector<1x16xf32>,
      %swap3A_157 = vector.shape_cast %swap3A_156 : vector<1x16xf32> to vector<16xf32>
      %swap3A_158 = vector.shape_cast %broadcast_in_dim3A_3 : vector<16xf32> to vector<1x16xf32>
      tpu.vector_store %arg9[%swap3A_154, %swap3A_155], %swap3A_158 {strides = array<i32>} : memref<128x128xf32, #tpu.memory_space<vmem>>, vector<1x16xf32>,
      %swap3A_159 = arith.index_cast %add3A_139 : i32 to index
      %swap3A_160 = arith.constant 64 : index
      %swap3A_161 = tpu.vector_load %arg9[%swap3A_159, %swap3A_160] {strides = array<i32>} : memref<128x128xf32, #tpu.memory_space<vmem>>, vector<1x16xf32>,
      %swap3A_162 = vector.shape_cast %swap3A_161 : vector<1x16xf32> to vector<16xf32>
      %swap3A_163 = vector.shape_cast %broadcast_in_dim3A_3 : vector<16xf32> to vector<1x16xf32>
      tpu.vector_store %arg9[%swap3A_159, %swap3A_160], %swap3A_163 {strides = array<i32>} : memref<128x128xf32, #tpu.memory_space<vmem>>, vector<1x16xf32>,
      %swap3A_164 = arith.index_cast %add3A_139 : i32 to index
      %swap3A_165 = arith.constant 80 : index
      %swap3A_166 = tpu.vector_load %arg9[%swap3A_164, %swap3A_165] {strides = array<i32>} : memref<128x128xf32, #tpu.memory_space<vmem>>, vector<1x16xf32>,
      %swap3A_167 = vector.shape_cast %swap3A_166 : vector<1x16xf32> to vector<16xf32>
      %swap3A_168 = vector.shape_cast %broadcast_in_dim3A_3 : vector<16xf32> to vector<1x16xf32>
      tpu.vector_store %arg9[%swap3A_164, %swap3A_165], %swap3A_168 {strides = array<i32>} : memref<128x128xf32, #tpu.memory_space<vmem>>, vector<1x16xf32>,
      %swap3A_169 = arith.index_cast %add3A_139 : i32 to index
      %swap3A_170 = arith.constant 96 : index
      %swap3A_171 = tpu.vector_load %arg9[%swap3A_169, %swap3A_170] {strides = array<i32>} : memref<128x128xf32, #tpu.memory_space<vmem>>, vector<1x16xf32>,
      %swap3A_172 = vector.shape_cast %swap3A_171 : vector<1x16xf32> to vector<16xf32>
      %swap3A_173 = vector.shape_cast %broadcast_in_dim3A_3 : vector<16xf32> to vector<1x16xf32>
      tpu.vector_store %arg9[%swap3A_169, %swap3A_170], %swap3A_173 {strides = array<i32>} : memref<128x128xf32, #tpu.memory_space<vmem>>, vector<1x16xf32>,
      %swap3A_174 = arith.index_cast %add3A_139 : i32 to index
      %swap3A_175 = arith.constant 112 : index
      %swap3A_176 = tpu.vector_load %arg9[%swap3A_174, %swap3A_175] {strides = array<i32>} : memref<128x128xf32, #tpu.memory_space<vmem>>, vector<1x16xf32>,
      %swap3A_177 = vector.shape_cast %swap3A_176 : vector<1x16xf32> to vector<16xf32>
      %swap3A_178 = vector.shape_cast %broadcast_in_dim3A_3 : vector<16xf32> to vector<1x16xf32>
      tpu.vector_store %arg9[%swap3A_174, %swap3A_175], %swap3A_178 {strides = array<i32>} : memref<128x128xf32, #tpu.memory_space<vmem>>, vector<1x16xf32>,
    }
    %scan3A_7 = arith.constant 128 : i32
    %mul3A_8 = arith.constant 640 : i32
    %mul3A_9 = arith.muli %arg1, %mul3A_8 : i32
    %add3A_10 = arith.constant 0 : i32
    %add3A_11 = arith.addi %mul3A_9, %add3A_10 : i32
    "tpu.region"() ({
      %run_scoped3A_135 = tpu.sem_alloc : memref<!tpu.dma_semaphore, #tpu.memory_space<semaphore_mem>>
      %dma_start3A_136 = arith.constant 0 : i32
      %dma_start3A_137 = tpu.memref_slice %arg11[%add3A_11, %dma_start3A_136] : memref<10240x128xf32, #tpu.memory_space<vmem_shared>> -> memref<128x128xf32, #tpu.memory_space<vmem_shared>>
      %dma_start3A_138 = arith.constant 0 : i32
      %dma_start3A_139 = tpu.memref_slice %arg11[%add3A_11, %dma_start3A_138] : memref<10240x128xf32, #tpu.memory_space<vmem_shared>> -> memref<128x128xf32, #tpu.memory_space<vmem_shared>>
      tpu.enqueue_dma source(%arg9 : memref<128x128xf32, #tpu.memory_space<vmem>>) target(%dma_start3A_139 : memref<128x128xf32, #tpu.memory_space<vmem_shared>>) target_semaphore(%run_scoped3A_135 : memref<!tpu.dma_semaphore, #tpu.memory_space<semaphore_mem>>)
      %dma_wait3A_140 = arith.constant 0 : i32
      %dma_wait3A_141 = tpu.memref_slice %arg11[%add3A_11, %dma_wait3A_140] : memref<10240x128xf32, #tpu.memory_space<vmem_shared>> -> memref<128x128xf32, #tpu.memory_space<vmem_shared>>
      %dma_wait3A_142 = arith.constant 0 : i32
      %dma_wait3A_143 = tpu.memref_slice %arg11[%add3A_11, %dma_wait3A_142] : memref<10240x128xf32, #tpu.memory_space<vmem_shared>> -> memref<128x128xf32, #tpu.memory_space<vmem_shared>>
      tpu.wait_dma2 semaphore(%run_scoped3A_135 : memref<!tpu.dma_semaphore, #tpu.memory_space<semaphore_mem>>) src(%arg9 : memref<128x128xf32, #tpu.memory_space<vmem>>) dst(%dma_wait3A_143 : memref<128x128xf32, #tpu.memory_space<vmem_shared>>)
      tpu.yield
    }) : () -> ()
    %mul3A_12 = arith.constant 640 : i32
    %mul3A_13 = arith.muli %arg1, %mul3A_12 : i32
    %add3A_14 = arith.constant 128 : i32
    %add3A_15 = arith.addi %mul3A_13, %add3A_14 : i32
    "tpu.region"() ({
      %run_scoped3A_135 = tpu.sem_alloc : memref<!tpu.dma_semaphore, #tpu.memory_space<semaphore_mem>>
      %dma_start3A_136 = arith.constant 0 : i32
      %dma_start3A_137 = tpu.memref_slice %arg11[%add3A_15, %dma_start3A_136] : memref<10240x128xf32, #tpu.memory_space<vmem_shared>> -> memref<128x128xf32, #tpu.memory_space<vmem_shared>>
      %dma_start3A_138 = arith.constant 0 : i32
      %dma_start3A_139 = tpu.memref_slice %arg11[%add3A_15, %dma_start3A_138] : memref<10240x128xf32, #tpu.memory_space<vmem_shared>> -> memref<128x128xf32, #tpu.memory_space<vmem_shared>>
      tpu.enqueue_dma source(%arg9 : memref<128x128xf32, #tpu.memory_space<vmem>>) target(%dma_start3A_139 : memref<128x128xf32, #tpu.memory_space<vmem_shared>>) target_semaphore(%run_scoped3A_135 : memref<!tpu.dma_semaphore, #tpu.memory_space<semaphore_mem>>)
      %dma_wait3A_140 = arith.constant 0 : i32
      %dma_wait3A_141 = tpu.memref_slice %arg11[%add3A_15, %dma_wait3A_140] : memref<10240x128xf32, #tpu.memory_space<vmem_shared>> -> memref<128x128xf32, #tpu.memory_space<vmem_shared>>
      %dma_wait3A_142 = arith.constant 0 : i32
      %dma_wait3A_143 = tpu.memref_slice %arg11[%add3A_15, %dma_wait3A_142] : memref<10240x128xf32, #tpu.memory_space<vmem_shared>> -> memref<128x128xf32, #tpu.memory_space<vmem_shared>>
      tpu.wait_dma2 semaphore(%run_scoped3A_135 : memref<!tpu.dma_semaphore, #tpu.memory_space<semaphore_mem>>) src(%arg9 : memref<128x128xf32, #tpu.memory_space<vmem>>) dst(%dma_wait3A_143 : memref<128x128xf32, #tpu.memory_space<vmem_shared>>)
      tpu.yield
    }) : () -> ()
    %mul3A_16 = arith.constant 640 : i32
    %mul3A_17 = arith.muli %arg1, %mul3A_16 : i32
    %add3A_18 = arith.constant 256 : i32
    %add3A_19 = arith.addi %mul3A_17, %add3A_18 : i32
    "tpu.region"() ({
      %run_scoped3A_135 = tpu.sem_alloc : memref<!tpu.dma_semaphore, #tpu.memory_space<semaphore_mem>>
      %dma_start3A_136 = arith.constant 0 : i32
      %dma_start3A_137 = tpu.memref_slice %arg11[%add3A_19, %dma_start3A_136] : memref<10240x128xf32, #tpu.memory_space<vmem_shared>> -> memref<128x128xf32, #tpu.memory_space<vmem_shared>>
      %dma_start3A_138 = arith.constant 0 : i32
      %dma_start3A_139 = tpu.memref_slice %arg11[%add3A_19, %dma_start3A_138] : memref<10240x128xf32, #tpu.memory_space<vmem_shared>> -> memref<128x128xf32, #tpu.memory_space<vmem_shared>>
      tpu.enqueue_dma source(%arg9 : memref<128x128xf32, #tpu.memory_space<vmem>>) target(%dma_start3A_139 : memref<128x128xf32, #tpu.memory_space<vmem_shared>>) target_semaphore(%run_scoped3A_135 : memref<!tpu.dma_semaphore, #tpu.memory_space<semaphore_mem>>)
      %dma_wait3A_140 = arith.constant 0 : i32
      %dma_wait3A_141 = tpu.memref_slice %arg11[%add3A_19, %dma_wait3A_140] : memref<10240x128xf32, #tpu.memory_space<vmem_shared>> -> memref<128x128xf32, #tpu.memory_space<vmem_shared>>
      %dma_wait3A_142 = arith.constant 0 : i32
      %dma_wait3A_143 = tpu.memref_slice %arg11[%add3A_19, %dma_wait3A_142] : memref<10240x128xf32, #tpu.memory_space<vmem_shared>> -> memref<128x128xf32, #tpu.memory_space<vmem_shared>>
      tpu.wait_dma2 semaphore(%run_scoped3A_135 : memref<!tpu.dma_semaphore, #tpu.memory_space<semaphore_mem>>) src(%arg9 : memref<128x128xf32, #tpu.memory_space<vmem>>) dst(%dma_wait3A_143 : memref<128x128xf32, #tpu.memory_space<vmem_shared>>)
      tpu.yield
    }) : () -> ()
    %mul3A_20 = arith.constant 640 : i32
    %mul3A_21 = arith.muli %arg1, %mul3A_20 : i32
    %add3A_22 = arith.constant 384 : i32
    %add3A_23 = arith.addi %mul3A_21, %add3A_22 : i32
    "tpu.region"() ({
      %run_scoped3A_135 = tpu.sem_alloc : memref<!tpu.dma_semaphore, #tpu.memory_space<semaphore_mem>>
      %dma_start3A_136 = arith.constant 0 : i32
      %dma_start3A_137 = tpu.memref_slice %arg11[%add3A_23, %dma_start3A_136] : memref<10240x128xf32, #tpu.memory_space<vmem_shared>> -> memref<128x128xf32, #tpu.memory_space<vmem_shared>>
      %dma_start3A_138 = arith.constant 0 : i32
      %dma_start3A_139 = tpu.memref_slice %arg11[%add3A_23, %dma_start3A_138] : memref<10240x128xf32, #tpu.memory_space<vmem_shared>> -> memref<128x128xf32, #tpu.memory_space<vmem_shared>>
      tpu.enqueue_dma source(%arg9 : memref<128x128xf32, #tpu.memory_space<vmem>>) target(%dma_start3A_139 : memref<128x128xf32, #tpu.memory_space<vmem_shared>>) target_semaphore(%run_scoped3A_135 : memref<!tpu.dma_semaphore, #tpu.memory_space<semaphore_mem>>)
      %dma_wait3A_140 = arith.constant 0 : i32
      %dma_wait3A_141 = tpu.memref_slice %arg11[%add3A_23, %dma_wait3A_140] : memref<10240x128xf32, #tpu.memory_space<vmem_shared>> -> memref<128x128xf32, #tpu.memory_space<vmem_shared>>
      %dma_wait3A_142 = arith.constant 0 : i32
      %dma_wait3A_143 = tpu.memref_slice %arg11[%add3A_23, %dma_wait3A_142] : memref<10240x128xf32, #tpu.memory_space<vmem_shared>> -> memref<128x128xf32, #tpu.memory_space<vmem_shared>>
      tpu.wait_dma2 semaphore(%run_scoped3A_135 : memref<!tpu.dma_semaphore, #tpu.memory_space<semaphore_mem>>) src(%arg9 : memref<128x128xf32, #tpu.memory_space<vmem>>) dst(%dma_wait3A_143 : memref<128x128xf32, #tpu.memory_space<vmem_shared>>)
      tpu.yield
    }) : () -> ()
    %mul3A_24 = arith.constant 640 : i32
    %mul3A_25 = arith.muli %arg1, %mul3A_24 : i32
    %add3A_26 = arith.constant 512 : i32
    %add3A_27 = arith.addi %mul3A_25, %add3A_26 : i32
    "tpu.region"() ({
      %run_scoped3A_135 = tpu.sem_alloc : memref<!tpu.dma_semaphore, #tpu.memory_space<semaphore_mem>>
      %dma_start3A_136 = arith.constant 0 : i32
      %dma_start3A_137 = tpu.memref_slice %arg11[%add3A_27, %dma_start3A_136] : memref<10240x128xf32, #tpu.memory_space<vmem_shared>> -> memref<128x128xf32, #tpu.memory_space<vmem_shared>>
      %dma_start3A_138 = arith.constant 0 : i32
      %dma_start3A_139 = tpu.memref_slice %arg11[%add3A_27, %dma_start3A_138] : memref<10240x128xf32, #tpu.memory_space<vmem_shared>> -> memref<128x128xf32, #tpu.memory_space<vmem_shared>>
      tpu.enqueue_dma source(%arg9 : memref<128x128xf32, #tpu.memory_space<vmem>>) target(%dma_start3A_139 : memref<128x128xf32, #tpu.memory_space<vmem_shared>>) target_semaphore(%run_scoped3A_135 : memref<!tpu.dma_semaphore, #tpu.memory_space<semaphore_mem>>)
      %dma_wait3A_140 = arith.constant 0 : i32
      %dma_wait3A_141 = tpu.memref_slice %arg11[%add3A_27, %dma_wait3A_140] : memref<10240x128xf32, #tpu.memory_space<vmem_shared>> -> memref<128x128xf32, #tpu.memory_space<vmem_shared>>
      %dma_wait3A_142 = arith.constant 0 : i32
      %dma_wait3A_143 = tpu.memref_slice %arg11[%add3A_27, %dma_wait3A_142] : memref<10240x128xf32, #tpu.memory_space<vmem_shared>> -> memref<128x128xf32, #tpu.memory_space<vmem_shared>>
      tpu.wait_dma2 semaphore(%run_scoped3A_135 : memref<!tpu.dma_semaphore, #tpu.memory_space<semaphore_mem>>) src(%arg9 : memref<128x128xf32, #tpu.memory_space<vmem>>) dst(%dma_wait3A_143 : memref<128x128xf32, #tpu.memory_space<vmem_shared>>)
      tpu.yield
    }) : () -> ()
    %barrier3A = arith.constant 0 : index
    tpu.barrier barrier_id(%barrier3A)
    %add3A_28 = arith.constant 0 : i32
    %add3A_29 = arith.addi %mul3A_2, %add3A_28 : i32
    %min3A = arith.constant 319872 : i32
    %min3A_30 = arith.minsi %add3A_29, %min3A : i32
    %dma_start3A = arith.constant 0 : i32
    %dma_start3A_31 = tpu.memref_slice %arg3[%dma_start3A, %min3A_30] : memref<2x320000xi32, #tpu.memory_space<hbm>> -> memref<2x128xi32, #tpu.memory_space<hbm>>
    %dma_start3A_32 = arith.constant 0 : i32
    %dma_start3A_33 = tpu.memref_slice %arg3[%dma_start3A_32, %min3A_30] : memref<2x320000xi32, #tpu.memory_space<hbm>> -> memref<2x128xi32, #tpu.memory_space<hbm>>
    tpu.enqueue_dma source(%dma_start3A_33 : memref<2x128xi32, #tpu.memory_space<hbm>>) target(%arg5 : memref<2x128xi32, #tpu.memory_space<vmem>>) target_semaphore(%arg14 : memref<!tpu.dma_semaphore, #tpu.memory_space<semaphore_mem>>)
    %add3A_34 = arith.constant 128 : i32
    %add3A_35 = arith.addi %mul3A_2, %add3A_34 : i32
    %min3A_36 = arith.constant 319872 : i32
    %min3A_37 = arith.minsi %add3A_35, %min3A_36 : i32
    %dma_start3A_38 = arith.constant 0 : i32
    %dma_start3A_39 = tpu.memref_slice %arg3[%dma_start3A_38, %min3A_37] : memref<2x320000xi32, #tpu.memory_space<hbm>> -> memref<2x128xi32, #tpu.memory_space<hbm>>
    %dma_start3A_40 = arith.constant 0 : i32
    %dma_start3A_41 = tpu.memref_slice %arg3[%dma_start3A_40, %min3A_37] : memref<2x320000xi32, #tpu.memory_space<hbm>> -> memref<2x128xi32, #tpu.memory_space<hbm>>
    tpu.enqueue_dma source(%dma_start3A_41 : memref<2x128xi32, #tpu.memory_space<hbm>>) target(%arg6 : memref<2x128xi32, #tpu.memory_space<vmem>>) target_semaphore(%arg15 : memref<!tpu.dma_semaphore, #tpu.memory_space<semaphore_mem>>)
    %add3A_42 = arith.constant 256 : i32
    %add3A_43 = arith.addi %mul3A_2, %add3A_42 : i32
    %min3A_44 = arith.constant 319872 : i32
    %min3A_45 = arith.minsi %add3A_43, %min3A_44 : i32
    %dma_start3A_46 = arith.constant 0 : i32
    %dma_start3A_47 = tpu.memref_slice %arg3[%dma_start3A_46, %min3A_45] : memref<2x320000xi32, #tpu.memory_space<hbm>> -> memref<2x128xi32, #tpu.memory_space<hbm>>
    %dma_start3A_48 = arith.constant 0 : i32
    %dma_start3A_49 = tpu.memref_slice %arg3[%dma_start3A_48, %min3A_45] : memref<2x320000xi32, #tpu.memory_space<hbm>> -> memref<2x128xi32, #tpu.memory_space<hbm>>
    tpu.enqueue_dma source(%dma_start3A_49 : memref<2x128xi32, #tpu.memory_space<hbm>>) target(%arg7 : memref<2x128xi32, #tpu.memory_space<vmem>>) target_semaphore(%arg16 : memref<!tpu.dma_semaphore, #tpu.memory_space<semaphore_mem>>)
    %add3A_50 = arith.constant 384 : i32
    %add3A_51 = arith.addi %mul3A_2, %add3A_50 : i32
    %min3A_52 = arith.constant 319872 : i32
    %min3A_53 = arith.minsi %add3A_51, %min3A_52 : i32
    %dma_start3A_54 = arith.constant 0 : i32
    %dma_start3A_55 = tpu.memref_slice %arg3[%dma_start3A_54, %min3A_53] : memref<2x320000xi32, #tpu.memory_space<hbm>> -> memref<2x128xi32, #tpu.memory_space<hbm>>
    %dma_start3A_56 = arith.constant 0 : i32
    %dma_start3A_57 = tpu.memref_slice %arg3[%dma_start3A_56, %min3A_53] : memref<2x320000xi32, #tpu.memory_space<hbm>> -> memref<2x128xi32, #tpu.memory_space<hbm>>
    tpu.enqueue_dma source(%dma_start3A_57 : memref<2x128xi32, #tpu.memory_space<hbm>>) target(%arg8 : memref<2x128xi32, #tpu.memory_space<vmem>>) target_semaphore(%arg17 : memref<!tpu.dma_semaphore, #tpu.memory_space<semaphore_mem>>)
    %dma_wait3A = arith.constant 0 : i32
    %dma_wait3A_58 = arith.constant 0 : i32
    %dma_wait3A_59 = tpu.memref_slice %arg3[%dma_wait3A, %dma_wait3A_58] : memref<2x320000xi32, #tpu.memory_space<hbm>> -> memref<2x128xi32, #tpu.memory_space<hbm>>
    %dma_wait3A_60 = arith.constant 0 : i32
    %dma_wait3A_61 = arith.constant 0 : i32
    %dma_wait3A_62 = tpu.memref_slice %arg3[%dma_wait3A_60, %dma_wait3A_61] : memref<2x320000xi32, #tpu.memory_space<hbm>> -> memref<2x128xi32, #tpu.memory_space<hbm>>
    tpu.wait_dma2 semaphore(%arg14 : memref<!tpu.dma_semaphore, #tpu.memory_space<semaphore_mem>>) src(%dma_wait3A_62 : memref<2x128xi32, #tpu.memory_space<hbm>>) dst(%arg5 : memref<2x128xi32, #tpu.memory_space<vmem>>)
    %dma_start3A_63 = arith.constant 0 : i32
    %dma_start3A_64 = arith.constant 0 : i32
    %dma_start3A_65 = tpu.memref_slice %arg5[%dma_start3A_63, %dma_start3A_64] : memref<2x128xi32, #tpu.memory_space<vmem>> -> memref<1x128xi32, #tpu.memory_space<vmem>>
    %dma_start3A_66 = tpu.memref_squeeze %dma_start3A_65 : memref<1x128xi32, #tpu.memory_space<vmem>> -> memref<128xi32, #tpu.memory_space<vmem>>
    %dma_start3A_67 = arith.constant 0 : i32
    %dma_start3A_68 = arith.constant 0 : i32
    %dma_start3A_69 = tpu.memref_slice %arg2[%dma_start3A_67, %dma_start3A_68] : memref<10000x128xf32, #tpu.memory_space<hbm>> -> memref<10000x128xf32, #tpu.memory_space<hbm>>
    tpu.enqueue_indirect_dma source(%dma_start3A_69 : memref<10000x128xf32, #tpu.memory_space<hbm>>) target(%arg9 : memref<128x128xf32, #tpu.memory_space<vmem>>) offsets(%dma_start3A_66 : memref<128xi32, #tpu.memory_space<vmem>>) semaphore(%arg12 : memref<!tpu.dma_semaphore, #tpu.memory_space<semaphore_mem>>)
    %dma_wait3A_70 = arith.constant 0 : i32
    %dma_wait3A_71 = arith.constant 0 : i32
    %dma_wait3A_72 = tpu.memref_slice %arg3[%dma_wait3A_70, %dma_wait3A_71] : memref<2x320000xi32, #tpu.memory_space<hbm>> -> memref<2x128xi32, #tpu.memory_space<hbm>>
    %dma_wait3A_73 = arith.constant 0 : i32
    %dma_wait3A_74 = arith.constant 0 : i32
    %dma_wait3A_75 = tpu.memref_slice %arg3[%dma_wait3A_73, %dma_wait3A_74] : memref<2x320000xi32, #tpu.memory_space<hbm>> -> memref<2x128xi32, #tpu.memory_space<hbm>>
    tpu.wait_dma2 semaphore(%arg15 : memref<!tpu.dma_semaphore, #tpu.memory_space<semaphore_mem>>) src(%dma_wait3A_75 : memref<2x128xi32, #tpu.memory_space<hbm>>) dst(%arg6 : memref<2x128xi32, #tpu.memory_space<vmem>>)
    %dma_start3A_76 = arith.constant 0 : i32
    %dma_start3A_77 = arith.constant 0 : i32
    %dma_start3A_78 = tpu.memref_slice %arg6[%dma_start3A_76, %dma_start3A_77] : memref<2x128xi32, #tpu.memory_space<vmem>> -> memref<1x128xi32, #tpu.memory_space<vmem>>
    %dma_start3A_79 = tpu.memref_squeeze %dma_start3A_78 : memref<1x128xi32, #tpu.memory_space<vmem>> -> memref<128xi32, #tpu.memory_space<vmem>>
    %dma_start3A_80 = arith.constant 0 : i32
    %dma_start3A_81 = arith.constant 0 : i32
    %dma_start3A_82 = tpu.memref_slice %arg2[%dma_start3A_80, %dma_start3A_81] : memref<10000x128xf32, #tpu.memory_space<hbm>> -> memref<10000x128xf32, #tpu.memory_space<hbm>>
    tpu.enqueue_indirect_dma source(%dma_start3A_82 : memref<10000x128xf32, #tpu.memory_space<hbm>>) target(%arg10 : memref<128x128xf32, #tpu.memory_space<vmem>>) offsets(%dma_start3A_79 : memref<128xi32, #tpu.memory_space<vmem>>) semaphore(%arg13 : memref<!tpu.dma_semaphore, #tpu.memory_space<semaphore_mem>>)
    %scan3A_83 = arith.constant 0 : i32
    %scan3A_84 = arith.constant 1 : i32
    %scan3A_85 = arith.constant 0 : i32
    %scan3A_86 = arith.constant 1 : i32
    %scan3A_87 = arith.constant 0 : i32
    %scan3A_88 = arith.constant 1 : i32
    %scan3A_89 = arith.constant 1 : i32
    %scan3A_90 = arith.constant 0 : i32
    %scan3A_91 = arith.constant 0 : i32
    %scan3A_92 = arith.constant 19 : i32
    %scan3A_93 = arith.addi %scan3A_91, %scan3A_92 : i32
    %scan3A_94 = arith.constant 1 : i32
    scf.for %scan3A_135 = %scan3A_91 to %scan3A_93 step %scan3A_94  : i32 {
      %mul3A_136 = arith.constant 1 : i32
      %mul3A_137 = arith.muli %scan3A_135, %mul3A_136 : i32
      %add3A_138 = arith.constant 0 : i32
      %add3A_139 = arith.addi %add3A_138, %mul3A_137 : i32
      %mul3A_140 = arith.constant 4 : i32
      %mul3A_141 = arith.muli %mul3A_140, %add3A_139 : i32
      %dma_wait3A_142 = arith.constant 0 : i32
      %dma_wait3A_143 = tpu.memref_slice %arg5[%scan3A_83, %dma_wait3A_142] : memref<2x128xi32, #tpu.memory_space<vmem>> -> memref<1x128xi32, #tpu.memory_space<vmem>>
      %dma_wait3A_144 = tpu.memref_squeeze %dma_wait3A_143 : memref<1x128xi32, #tpu.memory_space<vmem>> -> memref<128xi32, #tpu.memory_space<vmem>>
      %dma_wait3A_145 = arith.constant 0 : i32
      %dma_wait3A_146 = arith.constant 0 : i32
      %dma_wait3A_147 = tpu.memref_slice %arg2[%dma_wait3A_145, %dma_wait3A_146] : memref<10000x128xf32, #tpu.memory_space<hbm>> -> memref<10000x128xf32, #tpu.memory_space<hbm>>
      tpu.wait_indirect_dma semaphore(%arg12 : memref<!tpu.dma_semaphore, #tpu.memory_space<semaphore_mem>>) src(%dma_wait3A_147 : memref<10000x128xf32, #tpu.memory_space<hbm>>) dst(%arg9 : memref<128x128xf32, #tpu.memory_space<vmem>>)
      "tpu.region"() ({
        %run_scoped3A_266 = tpu.sem_alloc : memref<!tpu.dma_semaphore, #tpu.memory_space<semaphore_mem>>
        %dma_start3A_267 = arith.constant 0 : i32
        %dma_start3A_268 = tpu.memref_slice %arg5[%scan3A_84, %dma_start3A_267] : memref<2x128xi32, #tpu.memory_space<vmem>> -> memref<1x128xi32, #tpu.memory_space<vmem>>
        %dma_start3A_269 = tpu.memref_squeeze %dma_start3A_268 : memref<1x128xi32, #tpu.memory_space<vmem>> -> memref<128xi32, #tpu.memory_space<vmem>>
        %dma_start3A_270 = arith.constant 0 : i32
        %dma_start3A_271 = arith.constant 0 : i32
        %dma_start3A_272 = tpu.memref_slice %arg11[%dma_start3A_270, %dma_start3A_271] : memref<10240x128xf32, #tpu.memory_space<vmem_shared>> -> memref<10240x128xf32, #tpu.memory_space<vmem_shared>>
        tpu.enqueue_indirect_dma source(%arg9 : memref<128x128xf32, #tpu.memory_space<vmem>>) target(%dma_start3A_272 : memref<10240x128xf32, #tpu.memory_space<vmem_shared>>) offsets(%dma_start3A_269 : memref<128xi32, #tpu.memory_space<vmem>>) semaphore(%run_scoped3A_266 : memref<!tpu.dma_semaphore, #tpu.memory_space<semaphore_mem>>) {add = true}
        %dma_wait3A_273 = arith.constant 0 : i32
        %dma_wait3A_274 = tpu.memref_slice %arg5[%scan3A_84, %dma_wait3A_273] : memref<2x128xi32, #tpu.memory_space<vmem>> -> memref<1x128xi32, #tpu.memory_space<vmem>>
        %dma_wait3A_275 = tpu.memref_squeeze %dma_wait3A_274 : memref<1x128xi32, #tpu.memory_space<vmem>> -> memref<128xi32, #tpu.memory_space<vmem>>
        %dma_wait3A_276 = arith.constant 0 : i32
        %dma_wait3A_277 = arith.constant 0 : i32
        %dma_wait3A_278 = tpu.memref_slice %arg11[%dma_wait3A_276, %dma_wait3A_277] : memref<10240x128xf32, #tpu.memory_space<vmem_shared>> -> memref<10240x128xf32, #tpu.memory_space<vmem_shared>>
        tpu.wait_indirect_dma semaphore(%run_scoped3A_266 : memref<!tpu.dma_semaphore, #tpu.memory_space<semaphore_mem>>) src(%arg9 : memref<128x128xf32, #tpu.memory_space<vmem>>) dst(%dma_wait3A_278 : memref<10240x128xf32, #tpu.memory_space<vmem_shared>>)
        tpu.yield
      }) : () -> ()
      %add3A_148 = arith.constant 0 : i32
      %add3A_149 = arith.addi %mul3A_141, %add3A_148 : i32
      %add3A_150 = arith.constant 4 : i32
      %add3A_151 = arith.addi %add3A_149, %add3A_150 : i32
      %mul3A_152 = arith.constant 128 : i32
      %mul3A_153 = arith.muli %add3A_151, %mul3A_152 : i32
      %add3A_154 = arith.addi %mul3A_2, %mul3A_153 : i32
      %min3A_155 = arith.constant 319872 : i32
      %min3A_156 = arith.minsi %add3A_154, %min3A_155 : i32
      %dma_start3A_157 = arith.constant 0 : i32
      %dma_start3A_158 = tpu.memref_slice %arg3[%dma_start3A_157, %min3A_156] : memref<2x320000xi32, #tpu.memory_space<hbm>> -> memref<2x128xi32, #tpu.memory_space<hbm>>
      %dma_start3A_159 = arith.constant 0 : i32
      %dma_start3A_160 = tpu.memref_slice %arg3[%dma_start3A_159, %min3A_156] : memref<2x320000xi32, #tpu.memory_space<hbm>> -> memref<2x128xi32, #tpu.memory_space<hbm>>
      tpu.enqueue_dma source(%dma_start3A_160 : memref<2x128xi32, #tpu.memory_space<hbm>>) target(%arg5 : memref<2x128xi32, #tpu.memory_space<vmem>>) target_semaphore(%arg14 : memref<!tpu.dma_semaphore, #tpu.memory_space<semaphore_mem>>)
      %dma_wait3A_161 = arith.constant 0 : i32
      %dma_wait3A_162 = arith.constant 0 : i32
      %dma_wait3A_163 = tpu.memref_slice %arg3[%dma_wait3A_161, %dma_wait3A_162] : memref<2x320000xi32, #tpu.memory_space<hbm>> -> memref<2x128xi32, #tpu.memory_space<hbm>>
      %dma_wait3A_164 = arith.constant 0 : i32
      %dma_wait3A_165 = arith.constant 0 : i32
      %dma_wait3A_166 = tpu.memref_slice %arg3[%dma_wait3A_164, %dma_wait3A_165] : memref<2x320000xi32, #tpu.memory_space<hbm>> -> memref<2x128xi32, #tpu.memory_space<hbm>>
      tpu.wait_dma2 semaphore(%arg16 : memref<!tpu.dma_semaphore, #tpu.memory_space<semaphore_mem>>) src(%dma_wait3A_166 : memref<2x128xi32, #tpu.memory_space<hbm>>) dst(%arg7 : memref<2x128xi32, #tpu.memory_space<vmem>>)
      %dma_start3A_167 = arith.constant 0 : i32
      %dma_start3A_168 = tpu.memref_slice %arg7[%scan3A_85, %dma_start3A_167] : memref<2x128xi32, #tpu.memory_space<vmem>> -> memref<1x128xi32, #tpu.memory_space<vmem>>
      %dma_start3A_169 = tpu.memref_squeeze %dma_start3A_168 : memref<1x128xi32, #tpu.memory_space<vmem>> -> memref<128xi32, #tpu.memory_space<vmem>>
      %dma_start3A_170 = arith.constant 0 : i32
      %dma_start3A_171 = arith.constant 0 : i32
      %dma_start3A_172 = tpu.memref_slice %arg2[%dma_start3A_170, %dma_start3A_171] : memref<10000x128xf32, #tpu.memory_space<hbm>> -> memref<10000x128xf32, #tpu.memory_space<hbm>>
      tpu.enqueue_indirect_dma source(%dma_start3A_172 : memref<10000x128xf32, #tpu.memory_space<hbm>>) target(%arg9 : memref<128x128xf32, #tpu.memory_space<vmem>>) offsets(%dma_start3A_169 : memref<128xi32, #tpu.memory_space<vmem>>) semaphore(%arg12 : memref<!tpu.dma_semaphore, #tpu.memory_space<semaphore_mem>>)
      %dma_wait3A_173 = arith.constant 0 : i32
      %dma_wait3A_174 = tpu.memref_slice %arg5[%scan3A_83, %dma_wait3A_173] : memref<2x128xi32, #tpu.memory_space<vmem>> -> memref<1x128xi32, #tpu.memory_space<vmem>>
      %dma_wait3A_175 = tpu.memref_squeeze %dma_wait3A_174 : memref<1x128xi32, #tpu.memory_space<vmem>> -> memref<128xi32, #tpu.memory_space<vmem>>
      %dma_wait3A_176 = arith.constant 0 : i32
      %dma_wait3A_177 = arith.constant 0 : i32
      %dma_wait3A_178 = tpu.memref_slice %arg2[%dma_wait3A_176, %dma_wait3A_177] : memref<10000x128xf32, #tpu.memory_space<hbm>> -> memref<10000x128xf32, #tpu.memory_space<hbm>>
      tpu.wait_indirect_dma semaphore(%arg13 : memref<!tpu.dma_semaphore, #tpu.memory_space<semaphore_mem>>) src(%dma_wait3A_178 : memref<10000x128xf32, #tpu.memory_space<hbm>>) dst(%arg10 : memref<128x128xf32, #tpu.memory_space<vmem>>)
      "tpu.region"() ({
        %run_scoped3A_266 = tpu.sem_alloc : memref<!tpu.dma_semaphore, #tpu.memory_space<semaphore_mem>>
        %dma_start3A_267 = arith.constant 0 : i32
        %dma_start3A_268 = tpu.memref_slice %arg6[%scan3A_86, %dma_start3A_267] : memref<2x128xi32, #tpu.memory_space<vmem>> -> memref<1x128xi32, #tpu.memory_space<vmem>>
        %dma_start3A_269 = tpu.memref_squeeze %dma_start3A_268 : memref<1x128xi32, #tpu.memory_space<vmem>> -> memref<128xi32, #tpu.memory_space<vmem>>
        %dma_start3A_270 = arith.constant 0 : i32
        %dma_start3A_271 = arith.constant 0 : i32
        %dma_start3A_272 = tpu.memref_slice %arg11[%dma_start3A_270, %dma_start3A_271] : memref<10240x128xf32, #tpu.memory_space<vmem_shared>> -> memref<10240x128xf32, #tpu.memory_space<vmem_shared>>
        tpu.enqueue_indirect_dma source(%arg10 : memref<128x128xf32, #tpu.memory_space<vmem>>) target(%dma_start3A_272 : memref<10240x128xf32, #tpu.memory_space<vmem_shared>>) offsets(%dma_start3A_269 : memref<128xi32, #tpu.memory_space<vmem>>) semaphore(%run_scoped3A_266 : memref<!tpu.dma_semaphore, #tpu.memory_space<semaphore_mem>>) {add = true}
        %dma_wait3A_273 = arith.constant 0 : i32
        %dma_wait3A_274 = tpu.memref_slice %arg6[%scan3A_86, %dma_wait3A_273] : memref<2x128xi32, #tpu.memory_space<vmem>> -> memref<1x128xi32, #tpu.memory_space<vmem>>
        %dma_wait3A_275 = tpu.memref_squeeze %dma_wait3A_274 : memref<1x128xi32, #tpu.memory_space<vmem>> -> memref<128xi32, #tpu.memory_space<vmem>>
        %dma_wait3A_276 = arith.constant 0 : i32
        %dma_wait3A_277 = arith.constant 0 : i32
        %dma_wait3A_278 = tpu.memref_slice %arg11[%dma_wait3A_276, %dma_wait3A_277] : memref<10240x128xf32, #tpu.memory_space<vmem_shared>> -> memref<10240x128xf32, #tpu.memory_space<vmem_shared>>
        tpu.wait_indirect_dma semaphore(%run_scoped3A_266 : memref<!tpu.dma_semaphore, #tpu.memory_space<semaphore_mem>>) src(%arg10 : memref<128x128xf32, #tpu.memory_space<vmem>>) dst(%dma_wait3A_278 : memref<10240x128xf32, #tpu.memory_space<vmem_shared>>)
        tpu.yield
      }) : () -> ()
      %add3A_179 = arith.constant 1 : i32
      %add3A_180 = arith.addi %mul3A_141, %add3A_179 : i32
      %add3A_181 = arith.constant 4 : i32
      %add3A_182 = arith.addi %add3A_180, %add3A_181 : i32
      %mul3A_183 = arith.constant 128 : i32
      %mul3A_184 = arith.muli %add3A_182, %mul3A_183 : i32
      %add3A_185 = arith.addi %mul3A_2, %mul3A_184 : i32
      %min3A_186 = arith.constant 319872 : i32
      %min3A_187 = arith.minsi %add3A_185, %min3A_186 : i32
      %dma_start3A_188 = arith.constant 0 : i32
      %dma_start3A_189 = tpu.memref_slice %arg3[%dma_start3A_188, %min3A_187] : memref<2x320000xi32, #tpu.memory_space<hbm>> -> memref<2x128xi32, #tpu.memory_space<hbm>>
      %dma_start3A_190 = arith.constant 0 : i32
      %dma_start3A_191 = tpu.memref_slice %arg3[%dma_start3A_190, %min3A_187] : memref<2x320000xi32, #tpu.memory_space<hbm>> -> memref<2x128xi32, #tpu.memory_space<hbm>>
      tpu.enqueue_dma source(%dma_start3A_191 : memref<2x128xi32, #tpu.memory_space<hbm>>) target(%arg6 : memref<2x128xi32, #tpu.memory_space<vmem>>) target_semaphore(%arg15 : memref<!tpu.dma_semaphore, #tpu.memory_space<semaphore_mem>>)
      %dma_wait3A_192 = arith.constant 0 : i32
      %dma_wait3A_193 = arith.constant 0 : i32
      %dma_wait3A_194 = tpu.memref_slice %arg3[%dma_wait3A_192, %dma_wait3A_193] : memref<2x320000xi32, #tpu.memory_space<hbm>> -> memref<2x128xi32, #tpu.memory_space<hbm>>
      %dma_wait3A_195 = arith.constant 0 : i32
      %dma_wait3A_196 = arith.constant 0 : i32
      %dma_wait3A_197 = tpu.memref_slice %arg3[%dma_wait3A_195, %dma_wait3A_196] : memref<2x320000xi32, #tpu.memory_space<hbm>> -> memref<2x128xi32, #tpu.memory_space<hbm>>
      tpu.wait_dma2 semaphore(%arg17 : memref<!tpu.dma_semaphore, #tpu.memory_space<semaphore_mem>>) src(%dma_wait3A_197 : memref<2x128xi32, #tpu.memory_space<hbm>>) dst(%arg8 : memref<2x128xi32, #tpu.memory_space<vmem>>)
      %dma_start3A_198 = arith.constant 0 : i32
      %dma_start3A_199 = tpu.memref_slice %arg8[%scan3A_87, %dma_start3A_198] : memref<2x128xi32, #tpu.memory_space<vmem>> -> memref<1x128xi32, #tpu.memory_space<vmem>>
      %dma_start3A_200 = tpu.memref_squeeze %dma_start3A_199 : memref<1x128xi32, #tpu.memory_space<vmem>> -> memref<128xi32, #tpu.memory_space<vmem>>
      %dma_start3A_201 = arith.constant 0 : i32
      %dma_start3A_202 = arith.constant 0 : i32
      %dma_start3A_203 = tpu.memref_slice %arg2[%dma_start3A_201, %dma_start3A_202] : memref<10000x128xf32, #tpu.memory_space<hbm>> -> memref<10000x128xf32, #tpu.memory_space<hbm>>
      tpu.enqueue_indirect_dma source(%dma_start3A_203 : memref<10000x128xf32, #tpu.memory_space<hbm>>) target(%arg10 : memref<128x128xf32, #tpu.memory_space<vmem>>) offsets(%dma_start3A_200 : memref<128xi32, #tpu.memory_space<vmem>>) semaphore(%arg13 : memref<!tpu.dma_semaphore, #tpu.memory_space<semaphore_mem>>)
      %dma_wait3A_204 = arith.constant 0 : i32
      %dma_wait3A_205 = tpu.memref_slice %arg5[%scan3A_83, %dma_wait3A_204] : memref<2x128xi32, #tpu.memory_space<vmem>> -> memref<1x128xi32, #tpu.memory_space<vmem>>
      %dma_wait3A_206 = tpu.memref_squeeze %dma_wait3A_205 : memref<1x128xi32, #tpu.memory_space<vmem>> -> memref<128xi32, #tpu.memory_space<vmem>>
      %dma_wait3A_207 = arith.constant 0 : i32
      %dma_wait3A_208 = arith.constant 0 : i32
      %dma_wait3A_209 = tpu.memref_slice %arg2[%dma_wait3A_207, %dma_wait3A_208] : memref<10000x128xf32, #tpu.memory_space<hbm>> -> memref<10000x128xf32, #tpu.memory_space<hbm>>
      tpu.wait_indirect_dma semaphore(%arg12 : memref<!tpu.dma_semaphore, #tpu.memory_space<semaphore_mem>>) src(%dma_wait3A_209 : memref<10000x128xf32, #tpu.memory_space<hbm>>) dst(%arg9 : memref<128x128xf32, #tpu.memory_space<vmem>>)
      "tpu.region"() ({
        %run_scoped3A_266 = tpu.sem_alloc : memref<!tpu.dma_semaphore, #tpu.memory_space<semaphore_mem>>
        %dma_start3A_267 = arith.constant 0 : i32
        %dma_start3A_268 = tpu.memref_slice %arg7[%scan3A_88, %dma_start3A_267] : memref<2x128xi32, #tpu.memory_space<vmem>> -> memref<1x128xi32, #tpu.memory_space<vmem>>
        %dma_start3A_269 = tpu.memref_squeeze %dma_start3A_268 : memref<1x128xi32, #tpu.memory_space<vmem>> -> memref<128xi32, #tpu.memory_space<vmem>>
        %dma_start3A_270 = arith.constant 0 : i32
        %dma_start3A_271 = arith.constant 0 : i32
        %dma_start3A_272 = tpu.memref_slice %arg11[%dma_start3A_270, %dma_start3A_271] : memref<10240x128xf32, #tpu.memory_space<vmem_shared>> -> memref<10240x128xf32, #tpu.memory_space<vmem_shared>>
        tpu.enqueue_indirect_dma source(%arg9 : memref<128x128xf32, #tpu.memory_space<vmem>>) target(%dma_start3A_272 : memref<10240x128xf32, #tpu.memory_space<vmem_shared>>) offsets(%dma_start3A_269 : memref<128xi32, #tpu.memory_space<vmem>>) semaphore(%run_scoped3A_266 : memref<!tpu.dma_semaphore, #tpu.memory_space<semaphore_mem>>) {add = true}
        %dma_wait3A_273 = arith.constant 0 : i32
        %dma_wait3A_274 = tpu.memref_slice %arg7[%scan3A_88, %dma_wait3A_273] : memref<2x128xi32, #tpu.memory_space<vmem>> -> memref<1x128xi32, #tpu.memory_space<vmem>>
        %dma_wait3A_275 = tpu.memref_squeeze %dma_wait3A_274 : memref<1x128xi32, #tpu.memory_space<vmem>> -> memref<128xi32, #tpu.memory_space<vmem>>
        %dma_wait3A_276 = arith.constant 0 : i32
        %dma_wait3A_277 = arith.constant 0 : i32
        %dma_wait3A_278 = tpu.memref_slice %arg11[%dma_wait3A_276, %dma_wait3A_277] : memref<10240x128xf32, #tpu.memory_space<vmem_shared>> -> memref<10240x128xf32, #tpu.memory_space<vmem_shared>>
        tpu.wait_indirect_dma semaphore(%run_scoped3A_266 : memref<!tpu.dma_semaphore, #tpu.memory_space<semaphore_mem>>) src(%arg9 : memref<128x128xf32, #tpu.memory_space<vmem>>) dst(%dma_wait3A_278 : memref<10240x128xf32, #tpu.memory_space<vmem_shared>>)
        tpu.yield
      }) : () -> ()
      %add3A_210 = arith.constant 2 : i32
      %add3A_211 = arith.addi %mul3A_141, %add3A_210 : i32
      %add3A_212 = arith.constant 4 : i32
      %add3A_213 = arith.addi %add3A_211, %add3A_212 : i32
      %mul3A_214 = arith.constant 128 : i32
      %mul3A_215 = arith.muli %add3A_213, %mul3A_214 : i32
      %add3A_216 = arith.addi %mul3A_2, %mul3A_215 : i32
      %min3A_217 = arith.constant 319872 : i32
      %min3A_218 = arith.minsi %add3A_216, %min3A_217 : i32
      %dma_start3A_219 = arith.constant 0 : i32
      %dma_start3A_220 = tpu.memref_slice %arg3[%dma_start3A_219, %min3A_218] : memref<2x320000xi32, #tpu.memory_space<hbm>> -> memref<2x128xi32, #tpu.memory_space<hbm>>
      %dma_start3A_221 = arith.constant 0 : i32
      %dma_start3A_222 = tpu.memref_slice %arg3[%dma_start3A_221, %min3A_218] : memref<2x320000xi32, #tpu.memory_space<hbm>> -> memref<2x128xi32, #tpu.memory_space<hbm>>
      tpu.enqueue_dma source(%dma_start3A_222 : memref<2x128xi32, #tpu.memory_space<hbm>>) target(%arg7 : memref<2x128xi32, #tpu.memory_space<vmem>>) target_semaphore(%arg16 : memref<!tpu.dma_semaphore, #tpu.memory_space<semaphore_mem>>)
      %dma_wait3A_223 = arith.constant 0 : i32
      %dma_wait3A_224 = arith.constant 0 : i32
      %dma_wait3A_225 = tpu.memref_slice %arg3[%dma_wait3A_223, %dma_wait3A_224] : memref<2x320000xi32, #tpu.memory_space<hbm>> -> memref<2x128xi32, #tpu.memory_space<hbm>>
      %dma_wait3A_226 = arith.constant 0 : i32
      %dma_wait3A_227 = arith.constant 0 : i32
      %dma_wait3A_228 = tpu.memref_slice %arg3[%dma_wait3A_226, %dma_wait3A_227] : memref<2x320000xi32, #tpu.memory_space<hbm>> -> memref<2x128xi32, #tpu.memory_space<hbm>>
      tpu.wait_dma2 semaphore(%arg14 : memref<!tpu.dma_semaphore, #tpu.memory_space<semaphore_mem>>) src(%dma_wait3A_228 : memref<2x128xi32, #tpu.memory_space<hbm>>) dst(%arg5 : memref<2x128xi32, #tpu.memory_space<vmem>>)
      %dma_start3A_229 = arith.constant 0 : i32
      %dma_start3A_230 = tpu.memref_slice %arg5[%scan3A_83, %dma_start3A_229] : memref<2x128xi32, #tpu.memory_space<vmem>> -> memref<1x128xi32, #tpu.memory_space<vmem>>
      %dma_start3A_231 = tpu.memref_squeeze %dma_start3A_230 : memref<1x128xi32, #tpu.memory_space<vmem>> -> memref<128xi32, #tpu.memory_space<vmem>>
      %dma_start3A_232 = arith.constant 0 : i32
      %dma_start3A_233 = arith.constant 0 : i32
      %dma_start3A_234 = tpu.memref_slice %arg2[%dma_start3A_232, %dma_start3A_233] : memref<10000x128xf32, #tpu.memory_space<hbm>> -> memref<10000x128xf32, #tpu.memory_space<hbm>>
      tpu.enqueue_indirect_dma source(%dma_start3A_234 : memref<10000x128xf32, #tpu.memory_space<hbm>>) target(%arg9 : memref<128x128xf32, #tpu.memory_space<vmem>>) offsets(%dma_start3A_231 : memref<128xi32, #tpu.memory_space<vmem>>) semaphore(%arg12 : memref<!tpu.dma_semaphore, #tpu.memory_space<semaphore_mem>>)
      %dma_wait3A_235 = arith.constant 0 : i32
      %dma_wait3A_236 = tpu.memref_slice %arg5[%scan3A_83, %dma_wait3A_235] : memref<2x128xi32, #tpu.memory_space<vmem>> -> memref<1x128xi32, #tpu.memory_space<vmem>>
      %dma_wait3A_237 = tpu.memref_squeeze %dma_wait3A_236 : memref<1x128xi32, #tpu.memory_space<vmem>> -> memref<128xi32, #tpu.memory_space<vmem>>
      %dma_wait3A_238 = arith.constant 0 : i32
      %dma_wait3A_239 = arith.constant 0 : i32
      %dma_wait3A_240 = tpu.memref_slice %arg2[%dma_wait3A_238, %dma_wait3A_239] : memref<10000x128xf32, #tpu.memory_space<hbm>> -> memref<10000x128xf32, #tpu.memory_space<hbm>>
      tpu.wait_indirect_dma semaphore(%arg13 : memref<!tpu.dma_semaphore, #tpu.memory_space<semaphore_mem>>) src(%dma_wait3A_240 : memref<10000x128xf32, #tpu.memory_space<hbm>>) dst(%arg10 : memref<128x128xf32, #tpu.memory_space<vmem>>)
      "tpu.region"() ({
        %run_scoped3A_266 = tpu.sem_alloc : memref<!tpu.dma_semaphore, #tpu.memory_space<semaphore_mem>>
        %dma_start3A_267 = arith.constant 0 : i32
        %dma_start3A_268 = tpu.memref_slice %arg8[%scan3A_89, %dma_start3A_267] : memref<2x128xi32, #tpu.memory_space<vmem>> -> memref<1x128xi32, #tpu.memory_space<vmem>>
        %dma_start3A_269 = tpu.memref_squeeze %dma_start3A_268 : memref<1x128xi32, #tpu.memory_space<vmem>> -> memref<128xi32, #tpu.memory_space<vmem>>
        %dma_start3A_270 = arith.constant 0 : i32
        %dma_start3A_271 = arith.constant 0 : i32
        %dma_start3A_272 = tpu.memref_slice %arg11[%dma_start3A_270, %dma_start3A_271] : memref<10240x128xf32, #tpu.memory_space<vmem_shared>> -> memref<10240x128xf32, #tpu.memory_space<vmem_shared>>
        tpu.enqueue_indirect_dma source(%arg10 : memref<128x128xf32, #tpu.memory_space<vmem>>) target(%dma_start3A_272 : memref<10240x128xf32, #tpu.memory_space<vmem_shared>>) offsets(%dma_start3A_269 : memref<128xi32, #tpu.memory_space<vmem>>) semaphore(%run_scoped3A_266 : memref<!tpu.dma_semaphore, #tpu.memory_space<semaphore_mem>>) {add = true}
        %dma_wait3A_273 = arith.constant 0 : i32
        %dma_wait3A_274 = tpu.memref_slice %arg8[%scan3A_89, %dma_wait3A_273] : memref<2x128xi32, #tpu.memory_space<vmem>> -> memref<1x128xi32, #tpu.memory_space<vmem>>
        %dma_wait3A_275 = tpu.memref_squeeze %dma_wait3A_274 : memref<1x128xi32, #tpu.memory_space<vmem>> -> memref<128xi32, #tpu.memory_space<vmem>>
        %dma_wait3A_276 = arith.constant 0 : i32
        %dma_wait3A_277 = arith.constant 0 : i32
        %dma_wait3A_278 = tpu.memref_slice %arg11[%dma_wait3A_276, %dma_wait3A_277] : memref<10240x128xf32, #tpu.memory_space<vmem_shared>> -> memref<10240x128xf32, #tpu.memory_space<vmem_shared>>
        tpu.wait_indirect_dma semaphore(%run_scoped3A_266 : memref<!tpu.dma_semaphore, #tpu.memory_space<semaphore_mem>>) src(%arg10 : memref<128x128xf32, #tpu.memory_space<vmem>>) dst(%dma_wait3A_278 : memref<10240x128xf32, #tpu.memory_space<vmem_shared>>)
        tpu.yield
      }) : () -> ()
      %add3A_241 = arith.constant 3 : i32
      %add3A_242 = arith.addi %mul3A_141, %add3A_241 : i32
      %add3A_243 = arith.constant 4 : i32
      %add3A_244 = arith.addi %add3A_242, %add3A_243 : i32
      %mul3A_245 = arith.constant 128 : i32
      %mul3A_246 = arith.muli %add3A_244, %mul3A_245 : i32
      %add3A_247 = arith.addi %mul3A_2, %mul3A_246 : i32
      %min3A_248 = arith.constant 319872 : i32
      %min3A_249 = arith.minsi %add3A_247, %min3A_248 : i32
      %dma_start3A_250 = arith.constant 0 : i32
      %dma_start3A_251 = tpu.memref_slice %arg3[%dma_start3A_250, %min3A_249] : memref<2x320000xi32, #tpu.memory_space<hbm>> -> memref<2x128xi32, #tpu.memory_space<hbm>>
      %dma_start3A_252 = arith.constant 0 : i32
      %dma_start3A_253 = tpu.memref_slice %arg3[%dma_start3A_252, %min3A_249] : memref<2x320000xi32, #tpu.memory_space<hbm>> -> memref<2x128xi32, #tpu.memory_space<hbm>>
      tpu.enqueue_dma source(%dma_start3A_253 : memref<2x128xi32, #tpu.memory_space<hbm>>) target(%arg8 : memref<2x128xi32, #tpu.memory_space<vmem>>) target_semaphore(%arg17 : memref<!tpu.dma_semaphore, #tpu.memory_space<semaphore_mem>>)
      %dma_wait3A_254 = arith.constant 0 : i32
      %dma_wait3A_255 = arith.constant 0 : i32
      %dma_wait3A_256 = tpu.memref_slice %arg3[%dma_wait3A_254, %dma_wait3A_255] : memref<2x320000xi32, #tpu.memory_space<hbm>> -> memref<2x128xi32, #tpu.memory_space<hbm>>
      %dma_wait3A_257 = arith.constant 0 : i32
      %dma_wait3A_258 = arith.constant 0 : i32
      %dma_wait3A_259 = tpu.memref_slice %arg3[%dma_wait3A_257, %dma_wait3A_258] : memref<2x320000xi32, #tpu.memory_space<hbm>> -> memref<2x128xi32, #tpu.memory_space<hbm>>
      tpu.wait_dma2 semaphore(%arg15 : memref<!tpu.dma_semaphore, #tpu.memory_space<semaphore_mem>>) src(%dma_wait3A_259 : memref<2x128xi32, #tpu.memory_space<hbm>>) dst(%arg6 : memref<2x128xi32, #tpu.memory_space<vmem>>)
      %dma_start3A_260 = arith.constant 0 : i32
      %dma_start3A_261 = tpu.memref_slice %arg6[%scan3A_90, %dma_start3A_260] : memref<2x128xi32, #tpu.memory_space<vmem>> -> memref<1x128xi32, #tpu.memory_space<vmem>>
      %dma_start3A_262 = tpu.memref_squeeze %dma_start3A_261 : memref<1x128xi32, #tpu.memory_space<vmem>> -> memref<128xi32, #tpu.memory_space<vmem>>
      %dma_start3A_263 = arith.constant 0 : i32
      %dma_start3A_264 = arith.constant 0 : i32
      %dma_start3A_265 = tpu.memref_slice %arg2[%dma_start3A_263, %dma_start3A_264] : memref<10000x128xf32, #tpu.memory_space<hbm>> -> memref<10000x128xf32, #tpu.memory_space<hbm>>
      tpu.enqueue_indirect_dma source(%dma_start3A_265 : memref<10000x128xf32, #tpu.memory_space<hbm>>) target(%arg10 : memref<128x128xf32, #tpu.memory_space<vmem>>) offsets(%dma_start3A_262 : memref<128xi32, #tpu.memory_space<vmem>>) semaphore(%arg13 : memref<!tpu.dma_semaphore, #tpu.memory_space<semaphore_mem>>)
    }
    %scan3A_95 = arith.constant 19 : i32
    %dma_wait3A_96 = arith.constant 0 : i32
    %dma_wait3A_97 = arith.constant 0 : i32
    %dma_wait3A_98 = tpu.memref_slice %arg5[%dma_wait3A_96, %dma_wait3A_97] : memref<2x128xi32, #tpu.memory_space<vmem>> -> memref<1x128xi32, #tpu.memory_space<vmem>>
    %dma_wait3A_99 = tpu.memref_squeeze %dma_wait3A_98 : memref<1x128xi32, #tpu.memory_space<vmem>> -> memref<128xi32, #tpu.memory_space<vmem>>
    %dma_wait3A_100 = arith.constant 0 : i32
    %dma_wait3A_101 = arith.constant 0 : i32
    %dma_wait3A_102 = tpu.memref_slice %arg2[%dma_wait3A_100, %dma_wait3A_101] : memref<10000x128xf32, #tpu.memory_space<hbm>> -> memref<10000x128xf32, #tpu.memory_space<hbm>>
    tpu.wait_indirect_dma semaphore(%arg12 : memref<!tpu.dma_semaphore, #tpu.memory_space<semaphore_mem>>) src(%dma_wait3A_102 : memref<10000x128xf32, #tpu.memory_space<hbm>>) dst(%arg9 : memref<128x128xf32, #tpu.memory_space<vmem>>)
    %run_scoped3A = arith.constant 1 : i32
    "tpu.region"() ({
      %run_scoped3A_135 = tpu.sem_alloc : memref<!tpu.dma_semaphore, #tpu.memory_space<semaphore_mem>>
      %dma_start3A_136 = arith.constant 0 : i32
      %dma_start3A_137 = tpu.memref_slice %arg5[%run_scoped3A, %dma_start3A_136] : memref<2x128xi32, #tpu.memory_space<vmem>> -> memref<1x128xi32, #tpu.memory_space<vmem>>
      %dma_start3A_138 = tpu.memref_squeeze %dma_start3A_137 : memref<1x128xi32, #tpu.memory_space<vmem>> -> memref<128xi32, #tpu.memory_space<vmem>>
      %dma_start3A_139 = arith.constant 0 : i32
      %dma_start3A_140 = arith.constant 0 : i32
      %dma_start3A_141 = tpu.memref_slice %arg11[%dma_start3A_139, %dma_start3A_140] : memref<10240x128xf32, #tpu.memory_space<vmem_shared>> -> memref<10240x128xf32, #tpu.memory_space<vmem_shared>>
      tpu.enqueue_indirect_dma source(%arg9 : memref<128x128xf32, #tpu.memory_space<vmem>>) target(%dma_start3A_141 : memref<10240x128xf32, #tpu.memory_space<vmem_shared>>) offsets(%dma_start3A_138 : memref<128xi32, #tpu.memory_space<vmem>>) semaphore(%run_scoped3A_135 : memref<!tpu.dma_semaphore, #tpu.memory_space<semaphore_mem>>) {add = true}
      %dma_wait3A_142 = arith.constant 0 : i32
      %dma_wait3A_143 = tpu.memref_slice %arg5[%run_scoped3A, %dma_wait3A_142] : memref<2x128xi32, #tpu.memory_space<vmem>> -> memref<1x128xi32, #tpu.memory_space<vmem>>
      %dma_wait3A_144 = tpu.memref_squeeze %dma_wait3A_143 : memref<1x128xi32, #tpu.memory_space<vmem>> -> memref<128xi32, #tpu.memory_space<vmem>>
      %dma_wait3A_145 = arith.constant 0 : i32
      %dma_wait3A_146 = arith.constant 0 : i32
      %dma_wait3A_147 = tpu.memref_slice %arg11[%dma_wait3A_145, %dma_wait3A_146] : memref<10240x128xf32, #tpu.memory_space<vmem_shared>> -> memref<10240x128xf32, #tpu.memory_space<vmem_shared>>
      tpu.wait_indirect_dma semaphore(%run_scoped3A_135 : memref<!tpu.dma_semaphore, #tpu.memory_space<semaphore_mem>>) src(%arg9 : memref<128x128xf32, #tpu.memory_space<vmem>>) dst(%dma_wait3A_147 : memref<10240x128xf32, #tpu.memory_space<vmem_shared>>)
      tpu.yield
    }) : () -> ()
    %dma_wait3A_103 = arith.constant 0 : i32
    %dma_wait3A_104 = arith.constant 0 : i32
    %dma_wait3A_105 = tpu.memref_slice %arg5[%dma_wait3A_103, %dma_wait3A_104] : memref<2x128xi32, #tpu.memory_space<vmem>> -> memref<1x128xi32, #tpu.memory_space<vmem>>
    %dma_wait3A_106 = tpu.memref_squeeze %dma_wait3A_105 : memref<1x128xi32, #tpu.memory_space<vmem>> -> memref<128xi32, #tpu.memory_space<vmem>>
    %dma_wait3A_107 = arith.constant 0 : i32
    %dma_wait3A_108 = arith.constant 0 : i32
    %dma_wait3A_109 = tpu.memref_slice %arg2[%dma_wait3A_107, %dma_wait3A_108] : memref<10000x128xf32, #tpu.memory_space<hbm>> -> memref<10000x128xf32, #tpu.memory_space<hbm>>
    tpu.wait_indirect_dma semaphore(%arg13 : memref<!tpu.dma_semaphore, #tpu.memory_space<semaphore_mem>>) src(%dma_wait3A_109 : memref<10000x128xf32, #tpu.memory_space<hbm>>) dst(%arg10 : memref<128x128xf32, #tpu.memory_space<vmem>>)
    %run_scoped3A_110 = arith.constant 1 : i32
    "tpu.region"() ({
      %run_scoped3A_135 = tpu.sem_alloc : memref<!tpu.dma_semaphore, #tpu.memory_space<semaphore_mem>>
      %dma_start3A_136 = arith.constant 0 : i32
      %dma_start3A_137 = tpu.memref_slice %arg6[%run_scoped3A_110, %dma_start3A_136] : memref<2x128xi32, #tpu.memory_space<vmem>> -> memref<1x128xi32, #tpu.memory_space<vmem>>
      %dma_start3A_138 = tpu.memref_squeeze %dma_start3A_137 : memref<1x128xi32, #tpu.memory_space<vmem>> -> memref<128xi32, #tpu.memory_space<vmem>>
      %dma_start3A_139 = arith.constant 0 : i32
      %dma_start3A_140 = arith.constant 0 : i32
      %dma_start3A_141 = tpu.memref_slice %arg11[%dma_start3A_139, %dma_start3A_140] : memref<10240x128xf32, #tpu.memory_space<vmem_shared>> -> memref<10240x128xf32, #tpu.memory_space<vmem_shared>>
      tpu.enqueue_indirect_dma source(%arg10 : memref<128x128xf32, #tpu.memory_space<vmem>>) target(%dma_start3A_141 : memref<10240x128xf32, #tpu.memory_space<vmem_shared>>) offsets(%dma_start3A_138 : memref<128xi32, #tpu.memory_space<vmem>>) semaphore(%run_scoped3A_135 : memref<!tpu.dma_semaphore, #tpu.memory_space<semaphore_mem>>) {add = true}
      %dma_wait3A_142 = arith.constant 0 : i32
      %dma_wait3A_143 = tpu.memref_slice %arg6[%run_scoped3A_110, %dma_wait3A_142] : memref<2x128xi32, #tpu.memory_space<vmem>> -> memref<1x128xi32, #tpu.memory_space<vmem>>
      %dma_wait3A_144 = tpu.memref_squeeze %dma_wait3A_143 : memref<1x128xi32, #tpu.memory_space<vmem>> -> memref<128xi32, #tpu.memory_space<vmem>>
      %dma_wait3A_145 = arith.constant 0 : i32
      %dma_wait3A_146 = arith.constant 0 : i32
      %dma_wait3A_147 = tpu.memref_slice %arg11[%dma_wait3A_145, %dma_wait3A_146] : memref<10240x128xf32, #tpu.memory_space<vmem_shared>> -> memref<10240x128xf32, #tpu.memory_space<vmem_shared>>
      tpu.wait_indirect_dma semaphore(%run_scoped3A_135 : memref<!tpu.dma_semaphore, #tpu.memory_space<semaphore_mem>>) src(%arg10 : memref<128x128xf32, #tpu.memory_space<vmem>>) dst(%dma_wait3A_147 : memref<10240x128xf32, #tpu.memory_space<vmem_shared>>)
      tpu.yield
    }) : () -> ()
    %dma_wait3A_111 = arith.constant 0 : i32
    %dma_wait3A_112 = arith.constant 0 : i32
    %dma_wait3A_113 = tpu.memref_slice %arg3[%dma_wait3A_111, %dma_wait3A_112] : memref<2x320000xi32, #tpu.memory_space<hbm>> -> memref<2x128xi32, #tpu.memory_space<hbm>>
    %dma_wait3A_114 = arith.constant 0 : i32
    %dma_wait3A_115 = arith.constant 0 : i32
    %dma_wait3A_116 = tpu.memref_slice %arg3[%dma_wait3A_114, %dma_wait3A_115] : memref<2x320000xi32, #tpu.memory_space<hbm>> -> memref<2x128xi32, #tpu.memory_space<hbm>>
    tpu.wait_dma2 semaphore(%arg16 : memref<!tpu.dma_semaphore, #tpu.memory_space<semaphore_mem>>) src(%dma_wait3A_116 : memref<2x128xi32, #tpu.memory_space<hbm>>) dst(%arg7 : memref<2x128xi32, #tpu.memory_space<vmem>>)
    %dma_wait3A_117 = arith.constant 0 : i32
    %dma_wait3A_118 = arith.constant 0 : i32
    %dma_wait3A_119 = tpu.memref_slice %arg3[%dma_wait3A_117, %dma_wait3A_118] : memref<2x320000xi32, #tpu.memory_space<hbm>> -> memref<2x128xi32, #tpu.memory_space<hbm>>
    %dma_wait3A_120 = arith.constant 0 : i32
    %dma_wait3A_121 = arith.constant 0 : i32
    %dma_wait3A_122 = tpu.memref_slice %arg3[%dma_wait3A_120, %dma_wait3A_121] : memref<2x320000xi32, #tpu.memory_space<hbm>> -> memref<2x128xi32, #tpu.memory_space<hbm>>
    tpu.wait_dma2 semaphore(%arg17 : memref<!tpu.dma_semaphore, #tpu.memory_space<semaphore_mem>>) src(%dma_wait3A_122 : memref<2x128xi32, #tpu.memory_space<hbm>>) dst(%arg8 : memref<2x128xi32, #tpu.memory_space<vmem>>)
    %lt3A = arith.constant 4 : i32
    %lt3A_123 = arith.cmpi slt, %add3A, %lt3A : i32
    %convert_element_type3A = arith.extui %lt3A_123 : i1 to i32
    %cond3A = arith.constant 0 : i32
    %cond3A_124 = arith.constant 1 : i32
    %cond3A_125 = arith.constant 0 : i32
    %cond3A_126 = arith.cmpi ne, %convert_element_type3A, %cond3A_125 : i32
    scf.if %cond3A_126 {
      %add3A_135 = arith.constant 2496 : i32
      %add3A_136 = arith.addi %add3A_135, %add3A : i32
      %mul3A_137 = arith.constant 128 : i32
      %mul3A_138 = arith.muli %add3A_136, %mul3A_137 : i32
      %dma_start3A_139 = arith.constant 0 : i32
      %dma_start3A_140 = tpu.memref_slice %arg3[%dma_start3A_139, %mul3A_138] : memref<2x320000xi32, #tpu.memory_space<hbm>> -> memref<2x128xi32, #tpu.memory_space<hbm>>
      %dma_start3A_141 = arith.constant 0 : i32
      %dma_start3A_142 = tpu.memref_slice %arg3[%dma_start3A_141, %mul3A_138] : memref<2x320000xi32, #tpu.memory_space<hbm>> -> memref<2x128xi32, #tpu.memory_space<hbm>>
      tpu.enqueue_dma source(%dma_start3A_142 : memref<2x128xi32, #tpu.memory_space<hbm>>) target(%arg5 : memref<2x128xi32, #tpu.memory_space<vmem>>) target_semaphore(%arg14 : memref<!tpu.dma_semaphore, #tpu.memory_space<semaphore_mem>>)
      %dma_wait3A_143 = arith.constant 0 : i32
      %dma_wait3A_144 = arith.constant 0 : i32
      %dma_wait3A_145 = tpu.memref_slice %arg3[%dma_wait3A_143, %dma_wait3A_144] : memref<2x320000xi32, #tpu.memory_space<hbm>> -> memref<2x128xi32, #tpu.memory_space<hbm>>
      %dma_wait3A_146 = arith.constant 0 : i32
      %dma_wait3A_147 = arith.constant 0 : i32
      %dma_wait3A_148 = tpu.memref_slice %arg3[%dma_wait3A_146, %dma_wait3A_147] : memref<2x320000xi32, #tpu.memory_space<hbm>> -> memref<2x128xi32, #tpu.memory_space<hbm>>
      tpu.wait_dma2 semaphore(%arg14 : memref<!tpu.dma_semaphore, #tpu.memory_space<semaphore_mem>>) src(%dma_wait3A_148 : memref<2x128xi32, #tpu.memory_space<hbm>>) dst(%arg5 : memref<2x128xi32, #tpu.memory_space<vmem>>)
      %dma_start3A_149 = arith.constant 0 : i32
      %dma_start3A_150 = tpu.memref_slice %arg5[%cond3A, %dma_start3A_149] : memref<2x128xi32, #tpu.memory_space<vmem>> -> memref<1x128xi32, #tpu.memory_space<vmem>>
      %dma_start3A_151 = tpu.memref_squeeze %dma_start3A_150 : memref<1x128xi32, #tpu.memory_space<vmem>> -> memref<128xi32, #tpu.memory_space<vmem>>
      %dma_start3A_152 = arith.constant 0 : i32
      %dma_start3A_153 = arith.constant 0 : i32
      %dma_start3A_154 = tpu.memref_slice %arg2[%dma_start3A_152, %dma_start3A_153] : memref<10000x128xf32, #tpu.memory_space<hbm>> -> memref<10000x128xf32, #tpu.memory_space<hbm>>
      tpu.enqueue_indirect_dma source(%dma_start3A_154 : memref<10000x128xf32, #tpu.memory_space<hbm>>) target(%arg9 : memref<128x128xf32, #tpu.memory_space<vmem>>) offsets(%dma_start3A_151 : memref<128xi32, #tpu.memory_space<vmem>>) semaphore(%arg12 : memref<!tpu.dma_semaphore, #tpu.memory_space<semaphore_mem>>)
      %dma_wait3A_155 = arith.constant 0 : i32
      %dma_wait3A_156 = tpu.memref_slice %arg5[%cond3A, %dma_wait3A_155] : memref<2x128xi32, #tpu.memory_space<vmem>> -> memref<1x128xi32, #tpu.memory_space<vmem>>
      %dma_wait3A_157 = tpu.memref_squeeze %dma_wait3A_156 : memref<1x128xi32, #tpu.memory_space<vmem>> -> memref<128xi32, #tpu.memory_space<vmem>>
      %dma_wait3A_158 = arith.constant 0 : i32
      %dma_wait3A_159 = arith.constant 0 : i32
      %dma_wait3A_160 = tpu.memref_slice %arg2[%dma_wait3A_158, %dma_wait3A_159] : memref<10000x128xf32, #tpu.memory_space<hbm>> -> memref<10000x128xf32, #tpu.memory_space<hbm>>
      tpu.wait_indirect_dma semaphore(%arg12 : memref<!tpu.dma_semaphore, #tpu.memory_space<semaphore_mem>>) src(%dma_wait3A_160 : memref<10000x128xf32, #tpu.memory_space<hbm>>) dst(%arg9 : memref<128x128xf32, #tpu.memory_space<vmem>>)
      "tpu.region"() ({
        %run_scoped3A_161 = tpu.sem_alloc : memref<!tpu.dma_semaphore, #tpu.memory_space<semaphore_mem>>
        %dma_start3A_162 = arith.constant 0 : i32
        %dma_start3A_163 = tpu.memref_slice %arg5[%cond3A_124, %dma_start3A_162] : memref<2x128xi32, #tpu.memory_space<vmem>> -> memref<1x128xi32, #tpu.memory_space<vmem>>
        %dma_start3A_164 = tpu.memref_squeeze %dma_start3A_163 : memref<1x128xi32, #tpu.memory_space<vmem>> -> memref<128xi32, #tpu.memory_space<vmem>>
        %dma_start3A_165 = arith.constant 0 : i32
        %dma_start3A_166 = arith.constant 0 : i32
        %dma_start3A_167 = tpu.memref_slice %arg11[%dma_start3A_165, %dma_start3A_166] : memref<10240x128xf32, #tpu.memory_space<vmem_shared>> -> memref<10240x128xf32, #tpu.memory_space<vmem_shared>>
        tpu.enqueue_indirect_dma source(%arg9 : memref<128x128xf32, #tpu.memory_space<vmem>>) target(%dma_start3A_167 : memref<10240x128xf32, #tpu.memory_space<vmem_shared>>) offsets(%dma_start3A_164 : memref<128xi32, #tpu.memory_space<vmem>>) semaphore(%run_scoped3A_161 : memref<!tpu.dma_semaphore, #tpu.memory_space<semaphore_mem>>) {add = true}
        %dma_wait3A_168 = arith.constant 0 : i32
        %dma_wait3A_169 = tpu.memref_slice %arg5[%cond3A_124, %dma_wait3A_168] : memref<2x128xi32, #tpu.memory_space<vmem>> -> memref<1x128xi32, #tpu.memory_space<vmem>>
        %dma_wait3A_170 = tpu.memref_squeeze %dma_wait3A_169 : memref<1x128xi32, #tpu.memory_space<vmem>> -> memref<128xi32, #tpu.memory_space<vmem>>
        %dma_wait3A_171 = arith.constant 0 : i32
        %dma_wait3A_172 = arith.constant 0 : i32
        %dma_wait3A_173 = tpu.memref_slice %arg11[%dma_wait3A_171, %dma_wait3A_172] : memref<10240x128xf32, #tpu.memory_space<vmem_shared>> -> memref<10240x128xf32, #tpu.memory_space<vmem_shared>>
        tpu.wait_indirect_dma semaphore(%run_scoped3A_161 : memref<!tpu.dma_semaphore, #tpu.memory_space<semaphore_mem>>) src(%arg9 : memref<128x128xf32, #tpu.memory_space<vmem>>) dst(%dma_wait3A_173 : memref<10240x128xf32, #tpu.memory_space<vmem_shared>>)
        tpu.yield
      }) : () -> ()
    } else {
    }
    %barrier3A_127 = arith.constant 0 : index
    tpu.barrier barrier_id(%barrier3A_127)
    %mul3A_128 = arith.constant 640 : i32
    %mul3A_129 = arith.muli %arg1, %mul3A_128 : i32
    %mul3A_130 = arith.constant 10240 : i32
    %mul3A_131 = arith.muli %arg0, %mul3A_130 : i32
    %mul3A_132 = arith.constant 640 : i32
    %mul3A_133 = arith.muli %arg1, %mul3A_132 : i32
    %add3A_134 = arith.addi %mul3A_131, %mul3A_133 : i32
    "tpu.region"() ({
      %run_scoped3A_135 = tpu.sem_alloc : memref<!tpu.dma_semaphore, #tpu.memory_space<semaphore_mem>>
      %dma_start3A_136 = arith.constant 0 : i32
      %dma_start3A_137 = tpu.memref_slice %arg4[%add3A_134, %dma_start3A_136] : memref<20480x128xf32, #tpu.memory_space<hbm>> -> memref<640x128xf32, #tpu.memory_space<hbm>>
      %dma_start3A_138 = arith.constant 0 : i32
      %dma_start3A_139 = tpu.memref_slice %arg11[%mul3A_129, %dma_start3A_138] : memref<10240x128xf32, #tpu.memory_space<vmem_shared>> -> memref<640x128xf32, #tpu.memory_space<vmem_shared>>
      tpu.enqueue_dma source(%dma_start3A_139 : memref<640x128xf32, #tpu.memory_space<vmem_shared>>) target(%dma_start3A_137 : memref<640x128xf32, #tpu.memory_space<hbm>>) target_semaphore(%run_scoped3A_135 : memref<!tpu.dma_semaphore, #tpu.memory_space<semaphore_mem>>)
      %dma_wait3A_140 = arith.constant 0 : i32
      %dma_wait3A_141 = tpu.memref_slice %arg4[%add3A_134, %dma_wait3A_140] : memref<20480x128xf32, #tpu.memory_space<hbm>> -> memref<640x128xf32, #tpu.memory_space<hbm>>
      %dma_wait3A_142 = arith.constant 0 : i32
      %dma_wait3A_143 = tpu.memref_slice %arg11[%mul3A_129, %dma_wait3A_142] : memref<10240x128xf32, #tpu.memory_space<vmem_shared>> -> memref<640x128xf32, #tpu.memory_space<vmem_shared>>
      tpu.wait_dma2 semaphore(%run_scoped3A_135 : memref<!tpu.dma_semaphore, #tpu.memory_space<semaphore_mem>>) src(%dma_wait3A_143 : memref<640x128xf32, #tpu.memory_space<vmem_shared>>) dst(%dma_wait3A_141 : memref<640x128xf32, #tpu.memory_space<hbm>>)
      tpu.yield
    }) : () -> ()
    return
  }
}

module attributes {stable_mosaic.version = 14 : i64} {
  func.func @body(%arg0: i32, %arg1: memref<10240xf32, #tpu.memory_space<vmem>>, %arg2: memref<10240xf32, #tpu.memory_space<vmem>>, %arg3: memref<1280x128xf32, #tpu.memory_space<vmem>>, %arg4: memref<1280x128xf32, #tpu.memory_space<vmem>>) attributes {dimension_semantics = [#tpu.dimension_semantics<arbitrary>], iteration_bounds = array<i64: 8>, scalar_prefetch = 0 : i64, scratch_operands = 0 : i64, tpu.core_type = #tpu.core_type<tc>, window_params = [{pipeline_mode = #tpu.pipeline_mode<synchronous>, transform_indices = @transform_0, window_bounds = array<i64: 10240>}, {pipeline_mode = #tpu.pipeline_mode<synchronous>, transform_indices = @transform_1, window_bounds = array<i64: 10240>}, {transform_indices = @transform_2, window_bounds = array<i64: 1280, 128>}, {transform_indices = @transform_3, window_bounds = array<i64: 1280, 128>}]} {
    %mul3A = arith.constant 1280 : i32
    %mul3A_0 = arith.muli %arg0, %mul3A : i32
    %get3A = arith.index_cast %mul3A_0 : i32 to index
    %get3A_1 = vector.load %arg1[%get3A] : memref<10240xf32, #tpu.memory_space<vmem>>, vector<1280xf32>
    %add3A = arith.constant 1.000000e+00 : f32
    %add3A_2 = vector.broadcast %add3A : f32 to vector<1280xf32>
    %add3A_3 = arith.addf %add3A_2, %get3A_1 : vector<1280xf32>
    %mul3A_4 = arith.constant 1280 : i32
    %mul3A_5 = arith.muli %arg0, %mul3A_4 : i32
    %get3A_6 = arith.index_cast %mul3A_5 : i32 to index
    %get3A_7 = vector.load %arg2[%get3A_6] : memref<10240xf32, #tpu.memory_space<vmem>>, vector<1280xf32>
    %add3A_8 = arith.addf %add3A_3, %get3A_7 : vector<1280xf32>
    %rsqrt3A = math.rsqrt %add3A_8 : vector<1280xf32>
    %reshape3A = vector.shape_cast %rsqrt3A : vector<1280xf32> to vector<1280x1xf32>
    %get3A_9 = arith.constant 0 : index
    %get3A_10 = arith.constant 0 : index
    %get3A_11 = vector.load %arg3[%get3A_9, %get3A_10] : memref<1280x128xf32, #tpu.memory_space<vmem>>, vector<1280x128xf32>
    %mul3A_12 = vector.broadcast %reshape3A : vector<1280x1xf32> to vector<1280x128xf32>
    %mul3A_13 = arith.mulf %mul3A_12, %get3A_11 : vector<1280x128xf32>
    %swap3A = arith.constant 0 : index
    %swap3A_14 = arith.constant 0 : index
    %swap3A_15 = vector.load %arg4[%swap3A, %swap3A_14] : memref<1280x128xf32, #tpu.memory_space<vmem>>, vector<1280x128xf32>
    tpu.vector_store %arg4[%swap3A, %swap3A_14], %mul3A_13 {strides = array<i32>} : memref<1280x128xf32, #tpu.memory_space<vmem>>, vector<1280x128xf32>,
    return
  }
  func.func @transform_0(%arg0: i32) -> i32 {
    %c0_i32 = arith.constant 0 : i32
    %c0_i32_0 = arith.constant 0 : i32
    return %c0_i32 : i32
  }
  func.func @transform_1(%arg0: i32) -> i32 {
    %c0_i32 = arith.constant 0 : i32
    %c0_i32_0 = arith.constant 0 : i32
    return %c0_i32 : i32
  }
  func.func @transform_2(%arg0: i32) -> (i32, i32) {
    %c0_i32 = arith.constant 0 : i32
    %c0_i32_0 = arith.constant 0 : i32
    return %arg0, %c0_i32 : i32, i32
  }
  func.func @transform_3(%arg0: i32) -> (i32, i32) {
    %c0_i32 = arith.constant 0 : i32
    %c0_i32_0 = arith.constant 0 : i32
    return %arg0, %c0_i32 : i32, i32
  }
}

module attributes {stable_mosaic.version = 14 : i64} {
  func.func @body(%arg0: i32, %arg1: memref<2x1280x128xf32, #tpu.memory_space<vmem>>, %arg2: memref<1280x128xf32, #tpu.memory_space<vmem>>, %arg3: memref<10240xf32, #tpu.memory_space<vmem>>, %arg4: memref<10240xf32, #tpu.memory_space<vmem>>, %arg5: memref<1x128xf32, #tpu.memory_space<vmem>>, %arg6: memref<128x128xf32, #tpu.memory_space<vmem>>, %arg7: memref<1x128xf32, #tpu.memory_space<vmem>>, %arg8: memref<1280x128xf32, #tpu.memory_space<vmem>>) attributes {dimension_semantics = [#tpu.dimension_semantics<arbitrary>], iteration_bounds = array<i64: 8>, scalar_prefetch = 0 : i64, scratch_operands = 0 : i64, tpu.core_type = #tpu.core_type<tc>, window_params = [{transform_indices = @transform_0, window_bounds = array<i64: 2, 1280, 128>}, {transform_indices = @transform_1, window_bounds = array<i64: 1280, 128>}, {pipeline_mode = #tpu.pipeline_mode<synchronous>, transform_indices = @transform_2, window_bounds = array<i64: 10240>}, {pipeline_mode = #tpu.pipeline_mode<synchronous>, transform_indices = @transform_3, window_bounds = array<i64: 10240>}, {pipeline_mode = #tpu.pipeline_mode<synchronous>, transform_indices = @transform_4, window_bounds = array<i64: 1, 128>}, {pipeline_mode = #tpu.pipeline_mode<synchronous>, transform_indices = @transform_5, window_bounds = array<i64: 128, 128>}, {pipeline_mode = #tpu.pipeline_mode<synchronous>, transform_indices = @transform_6, window_bounds = array<i64: 1, 128>}, {transform_indices = @transform_7, window_bounds = array<i64: 1280, 128>}]} {
    %mul3A = arith.constant 1280 : i32
    %mul3A_0 = arith.muli %arg0, %mul3A : i32
    %get3A = arith.index_cast %mul3A_0 : i32 to index
    %get3A_1 = vector.load %arg3[%get3A] : memref<10240xf32, #tpu.memory_space<vmem>>, vector<1280xf32>
    %add3A = arith.constant 1.000000e+00 : f32
    %add3A_2 = vector.broadcast %add3A : f32 to vector<1280xf32>
    %add3A_3 = arith.addf %add3A_2, %get3A_1 : vector<1280xf32>
    %mul3A_4 = arith.constant 1280 : i32
    %mul3A_5 = arith.muli %arg0, %mul3A_4 : i32
    %get3A_6 = arith.index_cast %mul3A_5 : i32 to index
    %get3A_7 = vector.load %arg4[%get3A_6] : memref<10240xf32, #tpu.memory_space<vmem>>, vector<1280xf32>
    %add3A_8 = arith.addf %add3A_3, %get3A_7 : vector<1280xf32>
    %rsqrt3A = math.rsqrt %add3A_8 : vector<1280xf32>
    %reshape3A = vector.shape_cast %rsqrt3A : vector<1280xf32> to vector<1280x1xf32>
    %get3A_9 = arith.constant 0 : index
    %get3A_10 = arith.constant 0 : index
    %get3A_11 = arith.constant 0 : index
    %get3A_12 = vector.load %arg1[%get3A_9, %get3A_10, %get3A_11] : memref<2x1280x128xf32, #tpu.memory_space<vmem>>, vector<1x1280x128xf32>
    %get3A_13 = vector.shape_cast %get3A_12 : vector<1x1280x128xf32> to vector<1280x128xf32>
    %get3A_14 = arith.constant 1 : index
    %get3A_15 = arith.constant 0 : index
    %get3A_16 = arith.constant 0 : index
    %get3A_17 = vector.load %arg1[%get3A_14, %get3A_15, %get3A_16] : memref<2x1280x128xf32, #tpu.memory_space<vmem>>, vector<1x1280x128xf32>
    %get3A_18 = vector.shape_cast %get3A_17 : vector<1x1280x128xf32> to vector<1280x128xf32>
    %add3A_19 = arith.addf %get3A_13, %get3A_18 : vector<1280x128xf32>
    %get3A_20 = arith.constant 0 : index
    %get3A_21 = arith.constant 0 : index
    %get3A_22 = vector.load %arg2[%get3A_20, %get3A_21] : memref<1280x128xf32, #tpu.memory_space<vmem>>, vector<1280x128xf32>
    %add3A_23 = arith.addf %add3A_19, %get3A_22 : vector<1280x128xf32>
    %mul3A_24 = vector.broadcast %reshape3A : vector<1280x1xf32> to vector<1280x128xf32>
    %mul3A_25 = arith.mulf %mul3A_24, %add3A_23 : vector<1280x128xf32>
    %get3A_26 = arith.constant 0 : index
    %get3A_27 = arith.constant 0 : index
    %get3A_28 = vector.load %arg5[%get3A_26, %get3A_27] : memref<1x128xf32, #tpu.memory_space<vmem>>, vector<1x128xf32>
    %add3A_29 = vector.broadcast %get3A_28 : vector<1x128xf32> to vector<1280x128xf32>
    %add3A_30 = arith.addf %mul3A_25, %add3A_29 : vector<1280x128xf32>
    %max3A = arith.constant 0.000000e+00 : f32
    %max3A_31 = vector.broadcast %max3A : f32 to vector<1280x128xf32>
    %max3A_32 = arith.maximumf %add3A_30, %max3A_31 : vector<1280x128xf32>
    %get3A_33 = arith.constant 0 : index
    %get3A_34 = arith.constant 0 : index
    %get3A_35 = vector.load %arg6[%get3A_33, %get3A_34] : memref<128x128xf32, #tpu.memory_space<vmem>>, vector<128x128xf32>
    %dot_general3A = arith.constant dense<0.000000e+00> : vector<1280x128xf32>
    %dot_general3A_36 = tpu.matmul %max3A_32, %get3A_35, %dot_general3A {dimension_numbers = #tpu.dot_dimension_numbers<[1], [0], [0], [1], [0, 0, 1, 1], [], []>, transpose_lhs_hint = false} : vector<1280x128xf32>, vector<128x128xf32>, vector<1280x128xf32> -> vector<1280x128xf32>
    %get3A_37 = arith.constant 0 : index
    %get3A_38 = arith.constant 0 : index
    %get3A_39 = vector.load %arg7[%get3A_37, %get3A_38] : memref<1x128xf32, #tpu.memory_space<vmem>>, vector<1x128xf32>
    %add3A_40 = vector.broadcast %get3A_39 : vector<1x128xf32> to vector<1280x128xf32>
    %add3A_41 = arith.addf %dot_general3A_36, %add3A_40 : vector<1280x128xf32>
    %swap3A = arith.constant 0 : index
    %swap3A_42 = arith.constant 0 : index
    %swap3A_43 = vector.load %arg8[%swap3A, %swap3A_42] : memref<1280x128xf32, #tpu.memory_space<vmem>>, vector<1280x128xf32>
    tpu.vector_store %arg8[%swap3A, %swap3A_42], %add3A_41 {strides = array<i32>} : memref<1280x128xf32, #tpu.memory_space<vmem>>, vector<1280x128xf32>,
    return
  }
  func.func @transform_0(%arg0: i32) -> (i32, i32, i32) {
    %c0_i32 = arith.constant 0 : i32
    %c0_i32_0 = arith.constant 0 : i32
    %c0_i32_1 = arith.constant 0 : i32
    return %c0_i32, %arg0, %c0_i32_0 : i32, i32, i32
  }
  func.func @transform_1(%arg0: i32) -> (i32, i32) {
    %c0_i32 = arith.constant 0 : i32
    %c0_i32_0 = arith.constant 0 : i32
    return %arg0, %c0_i32 : i32, i32
  }
  func.func @transform_2(%arg0: i32) -> i32 {
    %c0_i32 = arith.constant 0 : i32
    %c0_i32_0 = arith.constant 0 : i32
    return %c0_i32 : i32
  }
  func.func @transform_3(%arg0: i32) -> i32 {
    %c0_i32 = arith.constant 0 : i32
    %c0_i32_0 = arith.constant 0 : i32
    return %c0_i32 : i32
  }
  func.func @transform_4(%arg0: i32) -> (i32, i32) {
    %c0_i32 = arith.constant 0 : i32
    %c0_i32_0 = arith.constant 0 : i32
    %c0_i32_1 = arith.constant 0 : i32
    return %c0_i32, %c0_i32_0 : i32, i32
  }
  func.func @transform_5(%arg0: i32) -> (i32, i32) {
    %c0_i32 = arith.constant 0 : i32
    %c0_i32_0 = arith.constant 0 : i32
    %c0_i32_1 = arith.constant 0 : i32
    return %c0_i32, %c0_i32_0 : i32, i32
  }
  func.func @transform_6(%arg0: i32) -> (i32, i32) {
    %c0_i32 = arith.constant 0 : i32
    %c0_i32_0 = arith.constant 0 : i32
    %c0_i32_1 = arith.constant 0 : i32
    return %c0_i32, %c0_i32_0 : i32, i32
  }
  func.func @transform_7(%arg0: i32) -> (i32, i32) {
    %c0_i32 = arith.constant 0 : i32
    %c0_i32_0 = arith.constant 0 : i32
    return %arg0, %c0_i32 : i32, i32
  }
}

module attributes {stable_mosaic.version = 14 : i64} {
  func.func @body(%arg0: i32, %arg1: memref<2000x128xf32, #tpu.memory_space<vmem>>, %arg2: memref<128x128xf32, #tpu.memory_space<vmem>>, %arg3: memref<1x128xf32, #tpu.memory_space<vmem>>, %arg4: memref<128x128xf32, #tpu.memory_space<vmem>>, %arg5: memref<2000x128xf32, #tpu.memory_space<vmem>>) attributes {dimension_semantics = [#tpu.dimension_semantics<arbitrary>], iteration_bounds = array<i64: 5>, scalar_prefetch = 0 : i64, scratch_operands = 0 : i64, tpu.core_type = #tpu.core_type<tc>, window_params = [{transform_indices = @transform_0, window_bounds = array<i64: 2000, 128>}, {pipeline_mode = #tpu.pipeline_mode<synchronous>, transform_indices = @transform_1, window_bounds = array<i64: 128, 128>}, {pipeline_mode = #tpu.pipeline_mode<synchronous>, transform_indices = @transform_2, window_bounds = array<i64: 1, 128>}, {pipeline_mode = #tpu.pipeline_mode<synchronous>, transform_indices = @transform_3, window_bounds = array<i64: 128, 128>}, {transform_indices = @transform_4, window_bounds = array<i64: 2000, 128>}]} {
    %get3A = arith.constant 0 : index
    %get3A_0 = arith.constant 0 : index
    %get3A_1 = vector.load %arg1[%get3A, %get3A_0] : memref<2000x128xf32, #tpu.memory_space<vmem>>, vector<2000x128xf32>
    %get3A_2 = arith.constant 0 : index
    %get3A_3 = arith.constant 0 : index
    %get3A_4 = vector.load %arg2[%get3A_2, %get3A_3] : memref<128x128xf32, #tpu.memory_space<vmem>>, vector<128x128xf32>
    %dot_general3A = arith.constant dense<0.000000e+00> : vector<2000x128xf32>
    %dot_general3A_5 = tpu.matmul %get3A_1, %get3A_4, %dot_general3A {dimension_numbers = #tpu.dot_dimension_numbers<[1], [0], [0], [1], [0, 0, 1, 1], [], []>, transpose_lhs_hint = false} : vector<2000x128xf32>, vector<128x128xf32>, vector<2000x128xf32> -> vector<2000x128xf32>
    %get3A_6 = arith.constant 0 : index
    %get3A_7 = arith.constant 0 : index
    %get3A_8 = vector.load %arg3[%get3A_6, %get3A_7] : memref<1x128xf32, #tpu.memory_space<vmem>>, vector<1x128xf32>
    %add3A = vector.broadcast %get3A_8 : vector<1x128xf32> to vector<2000x128xf32>
    %add3A_9 = arith.addf %dot_general3A_5, %add3A : vector<2000x128xf32>
    %max3A = arith.constant 0.000000e+00 : f32
    %max3A_10 = vector.broadcast %max3A : f32 to vector<2000x128xf32>
    %max3A_11 = arith.maximumf %add3A_9, %max3A_10 : vector<2000x128xf32>
    %get3A_12 = arith.constant 0 : index
    %get3A_13 = arith.constant 0 : index
    %get3A_14 = vector.load %arg4[%get3A_12, %get3A_13] : memref<128x128xf32, #tpu.memory_space<vmem>>, vector<128x128xf32>
    %dot_general3A_15 = arith.constant dense<0.000000e+00> : vector<2000x128xf32>
    %dot_general3A_16 = tpu.matmul %max3A_11, %get3A_14, %dot_general3A_15 {dimension_numbers = #tpu.dot_dimension_numbers<[1], [0], [0], [1], [0, 0, 1, 1], [], []>, transpose_lhs_hint = false} : vector<2000x128xf32>, vector<128x128xf32>, vector<2000x128xf32> -> vector<2000x128xf32>
    %swap3A = arith.constant 0 : index
    %swap3A_17 = arith.constant 0 : index
    %swap3A_18 = vector.load %arg5[%swap3A, %swap3A_17] : memref<2000x128xf32, #tpu.memory_space<vmem>>, vector<2000x128xf32>
    tpu.vector_store %arg5[%swap3A, %swap3A_17], %dot_general3A_16 {strides = array<i32>} : memref<2000x128xf32, #tpu.memory_space<vmem>>, vector<2000x128xf32>,
    return
  }
  func.func @transform_0(%arg0: i32) -> (i32, i32) {
    %c0_i32 = arith.constant 0 : i32
    %c0_i32_0 = arith.constant 0 : i32
    return %arg0, %c0_i32 : i32, i32
  }
  func.func @transform_1(%arg0: i32) -> (i32, i32) {
    %c0_i32 = arith.constant 0 : i32
    %c0_i32_0 = arith.constant 0 : i32
    %c0_i32_1 = arith.constant 0 : i32
    return %c0_i32, %c0_i32_0 : i32, i32
  }
  func.func @transform_2(%arg0: i32) -> (i32, i32) {
    %c0_i32 = arith.constant 0 : i32
    %c0_i32_0 = arith.constant 0 : i32
    %c0_i32_1 = arith.constant 0 : i32
    return %c0_i32, %c0_i32_0 : i32, i32
  }
  func.func @transform_3(%arg0: i32) -> (i32, i32) {
    %c0_i32 = arith.constant 0 : i32
    %c0_i32_0 = arith.constant 0 : i32
    %c0_i32_1 = arith.constant 0 : i32
    return %c0_i32, %c0_i32_0 : i32, i32
  }
  func.func @transform_4(%arg0: i32) -> (i32, i32) {
    %c0_i32 = arith.constant 0 : i32
    %c0_i32_0 = arith.constant 0 : i32
    return %arg0, %c0_i32 : i32, i32
  }
}

</mosaic_0001>

<sc_bundles>
// kernel: kernel.10.cloned.1.call-start
scs
__scs_entry_jumppad:
0x0: {  	(pc) =	sbr.rel $0x88, $3  }
0x1: {  	(tag) =	ssettag $0x0;
	lr =	simm.s32 $0x1  }
0x2: {  	[smem:$0x3F99] =	sst lr;
	_ =	strace $0xD0000000  }
0x3: {  	_ = 	snop  }
0x4: {  	_ = 	snop  }
0x5: {  	_ = 	snop  }
0x6: {  	_ = 	snop  }
0x7: {  	_ = 	snop  }
__scs_overlays_trampoline_lowered:
0x8: {  	[smem:$0x3FA8] =	sst s0  }
0x9: {  	[smem:$0x3FA9] =	sst s1  }
0xa: {  	[smem:$0x3FAA] =	sst s2  }
0xb: {  	[smem:$0x3FAB] =	sst s3  }
0xc: {  	[smem:$0x3FAC] =	sst s4  }
0xd: {  	[smem:$0x3FAD] =	sst s5  }
0xe: {  	[smem:$0x3FAE] =	sst s6  }
0xf: {  	[smem:$0x3FAF] =	sst s7  }
0x10: {  	[smem:$0x3FB0] =	sst s8  }
0x11: {  	[smem:$0x3FB1] =	sst s9;
	s0 =	simm.s32 @!p0 $0x0  }
0x12: {  	s1 =	sld [smem:$0x3F97];
	s0 =	simm.s32 @p0 $0x1  }
0x13: {  	[smem:$0x3FB2] =	sst s0;
	s0 =	simm.s32 @!p1 $0x0  }
0x14: {  	s2 =	sld [smem:$0x3F96];
	s0 =	simm.s32 @p1 $0x1  }
0x15: {  	[smem:$0x3FB3] =	sst s0;
	s0 =	simm.s32 @!p2 $0x0  }
0x16: {  	s3 =	sld [smem:$0x3FDB];
	s0 =	simm.s32 @p2 $0x1  }
0x17: {  	s4 =	simm.s32 $0x1BF5;
	[smem:$0x3FB5] =	sst s0  }
0x18: {  	s0 =	sld [smem:$0x3F98];
	_ =	swait.ge [sflag:s4], $0x0  }
0x19: {  	s7 =	sld [smem:$0x3F99]  }
0x1a: {  	s8 =	sadd.s32 $0xFFFFE003, lr  }
0x1b: {  	s9 =	sadd.s32 $0xFFFFFEF7, lr;
	s5 =	simm.s32 $0xFFFFFFFF;
	p2 =	slt.u32 s8, $0xFFFFF086  }
0x1c: {  	p1 =	slt.u32 s9, $0xF7A;
	s5 =	simm.s32 @!p2 $0x0  }
0x1d: {  	s5 =	simm.s32 @p1 $0x1;
	p0 =	seq.s32 s7, s2  }
0x1e: {  	s7 =	smul.u32 @!p0 $0xF7A, s2;
	p2 =	seq.s32 @!p0 s5, $0x0  }
0x1f: {  	s9 =	smul.u32 $0xF7A, s1;
	s8 =	simm.s32 @!p0 $0x1BF5;
	p2 =	por !p2, p0  }
0x20: {  	[sflag:s8] =	ssyncset.s32 @!p0 $0xFFFFF086;
	s6 =	sadd.s32 @!p0 s3, s7;
	s7 =	simm.s32 @!p0 $0x108  }
0x21: {  	s3 =	sadd.s32 s3, s9;
	s6 =	sadd.s32 @!p0 $0x88, s6;
	s7 =	simm.s32 @p2 $0x1082  }
0x22: {  	[simem:s7], [sflag:s8] =	dma.local @!p0 [hbm:s6], $0xF7A  }
0x23: {  	s9 =	sor.u32 $0xD0000000, s2;
	s6 =	simm.s32 $0x108;
	_ =	swait.ge @!p0 [sflag:s8], $0x0  }
0x24: {  	s3 =	sadd.s32 $0x88, s3;
	s6 =	simm.s32 @!p1 $0x1082;
	[sflag:s4] =	ssyncset.s32 $0xFFFFF086  }
0x25: {  	[simem:s6], [sflag:s4] =	dma.local [hbm:s3], $0xF7A  }
0x26: {  	[smem:$0x3F99] =	sst s1;
	(tag) =	ssettag s2;
	_ =	strace s9  }
0x27: {  	s1 =	sld [smem:$0x3FA9]  }
0x28: {  	s2 =	sld [smem:$0x3FAA]  }
0x29: {  	s4 =	sld [smem:$0x3FAC]  }
0x2a: {  	p0 =	seq.s32 s5, $0x0;
	s5 =	sld [smem:$0x3FAD]  }
0x2b: {  	s6 =	sld [smem:$0x3FAE]  }
0x2c: {  	s7 =	sld [smem:$0x3FAF]  }
0x2d: {  	s3 =	simm.s32 $0x108;
	s8 =	sld [smem:$0x3FB0]  }
0x2e: {  	s3 =	simm.s32 @!p0 $0x1082;
	s9 =	sld [smem:$0x3FB1]  }
0x2f: {  	lr =	sadd.s32 s0, s3;
	s0 =	sld [smem:$0x3FA8]  }
0x30: {  	s3 =	sld [smem:$0x3FAB]  }
0x31: {  	[smem:$0x3FB4] =	sst s10  }
0x32: {  	s10 =	sld [smem:$0x3FB2];
	_ =	sdelay $0x3  }
0x33: {  	p0 =	seq.s32 s10, $0x1;
	s10 =	sld [smem:$0x3FB4];
	_ =	sdelay $0x3  }
0x34: {  	[smem:$0x3FB4] =	sst s10  }
0x35: {  	s10 =	sld [smem:$0x3FB3];
	_ =	sdelay $0x3  }
0x36: {  	p1 =	seq.s32 s10, $0x1;
	s10 =	sld [smem:$0x3FB4];
	_ =	sdelay $0x3  }
0x37: {  	[smem:$0x3FB4] =	sst s10  }
0x38: {  	s10 =	sld [smem:$0x3FB5]  }
0x39: {  	_ = 	snop;
	(pc) =	sbr.ind lr, $3  }
0x3a: {  	_ = 	snop  }
0x3b: {  	_ = 	snop  }
0x3c: {  	p2 =	seq.s32 s10, $0x1;
	s10 =	sld [smem:$0x3FB4]  }
0x3d: {  	_ =	shalt  }
0x3e: {  	_ =	shalt  }
0x3f: {  	_ =	shalt  }
0x40: {  	_ =	shalt  }
0x41: {  	_ =	shalt  }
0x42: {  	_ =	shalt  }
0x43: {  	_ =	shalt  }
0x44: {  	_ =	shalt  }
0x45: {  	_ =	shalt  }
0x46: {  	_ =	shalt  }
0x47: {  	_ =	shalt  }
0x48: {  	_ =	shalt  }
0x49: {  	_ =	shalt  }
0x4a: {  	_ =	shalt  }
0x4b: {  	_ =	shalt  }
0x4c: {  	_ =	shalt  }
0x4d: {  	_ =	shalt  }
0x4e: {  	_ =	shalt  }
0x4f: {  	_ =	shalt  }
0x50: {  	_ =	shalt  }
0x51: {  	_ =	shalt  }
0x52: {  	_ =	shalt  }
0x53: {  	_ =	shalt  }
0x54: {  	_ =	shalt  }
0x55: {  	_ =	shalt  }
0x56: {  	_ =	shalt  }
0x57: {  	_ =	shalt  }
0x58: {  	_ =	shalt  }
0x59: {  	_ =	shalt  }
0x5a: {  	_ =	shalt  }
0x5b: {  	_ =	shalt  }
0x5c: {  	_ =	shalt  }
0x5d: {  	_ =	shalt  }
0x5e: {  	_ =	shalt  }
0x5f: {  	_ =	shalt  }
0x60: {  	_ =	shalt  }
0x61: {  	_ =	shalt  }
0x62: {  	_ =	shalt  }
0x63: {  	_ =	shalt  }
0x64: {  	_ =	shalt  }
0x65: {  	_ =	shalt  }
0x66: {  	_ =	shalt  }
0x67: {  	_ =	shalt  }
0x68: {  	_ =	shalt  }
0x69: {  	_ =	shalt  }
0x6a: {  	_ =	shalt  }
0x6b: {  	_ =	shalt  }
0x6c: {  	_ =	shalt  }
0x6d: {  	_ =	shalt  }
0x6e: {  	_ =	shalt  }
0x6f: {  	_ =	shalt  }
0x70: {  	_ =	shalt  }
0x71: {  	_ =	shalt  }
0x72: {  	_ =	shalt  }
0x73: {  	_ =	shalt  }
0x74: {  	_ =	shalt  }
0x75: {  	_ =	shalt  }
0x76: {  	_ =	shalt  }
0x77: {  	_ =	shalt  }
0x78: {  	_ =	shalt  }
0x79: {  	_ =	shalt  }
0x7a: {  	_ =	shalt  }
0x7b: {  	_ =	shalt  }
0x7c: {  	_ =	shalt  }
0x7d: {  	_ =	shalt  }
0x7e: {  	_ =	shalt  }
0x7f: {  	_ =	shalt  }
0x80: {  	_ =	shalt  }
0x81: {  	_ =	shalt  }
0x82: {  	_ =	shalt  }
0x83: {  	_ =	shalt  }
0x84: {  	_ =	shalt  }
0x85: {  	_ =	shalt  }
0x86: {  	_ =	shalt  }
0x87: {  	_ =	shalt  }
.Lfunc_end0:
.L_simem_size_0:
called_computation.1_lowered:
.L_overlay_start_0:
0x88: {  	s2 =	sld [smem:$0x3FD9]  }
0x89: {  	s3 =	sld [smem:$0x3FFE];
	_ =	sdelay $0x1  }
0x8a: {  	s1 =	srdreg.scid  }
0x8b: {  	s0 =	sand.u32 $0x1, s1  }
0x8c: {  	s17 =	sshll.u32 s0, $0xA;
	s2 =	sadd.s32 s3, s2  }
0x8d: {  	s2 =	sadd.s32 s2, s17  }
0x8e: {  	[smem:$0x3FC0] =	sst s2  }
0x8f: {  	_ = 	snop  }
0x90: {  	s2 =	sld [smem:$0x3FC8]  }
0x91: {  	s18 =	sld [smem:$0x3FD0];
	(tm) =	ssettm $0x1  }
0x92: {  	s4 =	sld [smem:$0x3FFB];
	_ =	sdelay $0x3  }
0x93: {  	_ =	strace s4  }
0x94: {  	s4 =	sld [smem:$0x3FFC];
	_ =	sdelay $0x3  }
0x95: {  	_ =	strace s4  }
0x96: {  	s4 =	sld [smem:$0x3FFD];
	_ =	sdelay $0x3  }
0x97: {  	_ =	strace s4  }
0x98: {  	_ =	strace $0x8FFFFFFF  }
0x99: {  	s19 =	sld [smem:$0x3FDB];
	_ =	sdelay $0x1  }
0x9a: {  	s5 =	simm.s32 $_scs_section_size  }
0x9b: {  	s6 =	simm.s32 $_size__tile_overlayer_lowered;
	s7 =	simm.s32 $_tile_overlayer_lowered  }
0x9c: {  	s22 =	simm.s32 $0x1BFF;
	s21 =	sshll.u32 s7, $0x1;
	s4 =	sadd.s32 s5, s19  }
0x9d: {  	s8 =	simm.s32 $0x0;
	s20 =	sshll.u32 s6, $0x1;
	s6 =	sadd.s32 s21, s4  }
0x9e: {  	[timem:s8], [sflag:s22] =	dma.local [hbm:s6], s20  }
0x9f: {  	_ =	swait.ge [sflag:s22], s20  }
0xa0: {  	s5 =	ssub.s32 $0x0, s20;
	[sflag:s22] =	ssyncset.done $0x0  }
0xa1: {  	[sflag:s22] =	ssyncadd.s32 s5;
	_ =	sdelay $0x1  }
0xa2: {  	s23 =	simm.s32 $0x1B8B  }
0xa3: {  	_ =	swait.ge [sflag:s23], $0x1  }
0xa4: {  	[sflag:s23] =	ssyncset.done $0x0  }
0xa5: {  	s25 =	simm.s32 $0x1B8E;
	s24 =	sld [smem:$0x3FFE];
	[sflag:s23] =	ssyncadd.s32 $0xFFFFFFFF  }
0xa6: {  	s26 =	simm.s32 $execute0_lowered;
	[smem:$0x3FD2] =	sst s25  }
0xa7: {  	s6 =	sshll.u32 s26, $0x1;
	_ =	strace $0x80000049;
	[dreg:$0x1] =	wrdreg $0xFFFFFFFF  }
0xa8: {  	s28 =	simm.s32 $_size_execute0_lowered;
	s4 =	sadd.s32 s4, s6;
	[dreg:$0x0] =	wrdreg $0x0  }
0xa9: {  	s6 =	sshll.u32 s28, $0x1;
	[dreg:$0x2] =	wrdreg s4  }
0xaa: {  	[dreg:$0x3] =	wrdreg s6  }
0xab: {  	[dreg:$0x4] =	wrdreg $0xC0  }
0xac: {  	_ =	task [dreg:s8], $0x5FFFF  }
0xad: {  	[dreg:$0x1] =	wrdreg $0xFFFFFFFF  }
0xae: {  	[dreg:$0x0] =	wrdreg $0x60  }
0xaf: {  	[dreg:$0x2] =	wrdreg s18  }
0xb0: {  	[dreg:$0x3] =	wrdreg s2  }
0xb1: {  	[dreg:$0x4] =	wrdreg s24  }
0xb2: {  	[dreg:$0x5] =	wrdreg $0x84000  }
0xb3: {  	[dreg:$0x6] =	wrdreg $0x9  }
0xb4: {  	_ =	task.clear_ibuf [dreg:s8], $0x7FFFF;
	_ =	strace $0x90000049  }
0xb5: {  	s29 =	simm.s32 $0x9;
	_ =	strace $0x8000004B  }
0xb6: {  	_ =	swait.ge [sflag:s29], $0x1  }
0xb7: {  	[sflag:s29] =	ssyncadd.s32 $0xFFFFFFFF  }
0xb8: {  	_ =	strace $0x9000004B  }
0xb9: {  	_ =	sfence  }
0xba: {  	s30 =	sld [smem:$0x0];
	_ =	sdelay $0x2  }
0xbb: {  	s31 =	sshll.u32 s1, $0xD;
	s1 =	sshrl.u32 s1, $0x2  }
0xbc: {  	s3 =	sand.u32 $0x4000, s31;
	s1 =	sadd.s32 s1, s30  }
0xbd: {  	s0 =	sor.u32 s3, s0;
	s1 =	sshll.u32 s1, $0x11  }
0xbe: {  	s0 =	sor.u32 s1, s0  }
0xbf: {  	s0 =	sadd.s32 $0x8F2B, s0  }
0xc0: {  	[sflag:s0] =	ssyncadd.remote.s32 $0x1  }
0xc1: {  	_ =	sfence.sel $0xFFFF  }
0xc2: {  	[dreg:$0x0] =	wrdreg $0xFFFFFFFF;
	(pc) =	sbr.abs _section_cstart, $3  }
0xc3: {  	[dreg:$0x1] =	wrdreg $0xFFFFFFFF  }
0xc4: {  	_ =	task.clear_ibuf [dreg:s8], $0x2FFFF;
	_ =	strace $0x9FFFFFFF  }
0xc5: {  	(tm) =	ssettm $0x7FFFFFFF  }
tec
execute0_lowered:
.L_overlay_start_1:
0x0: {  	(tag) =	ssettag $0x1  }
0x1: {  	s1 =	rddreg [dreg:$0x0]  }
0x2: {  	s2 =	rddreg [dreg:$0x1]  }
0x3: {  	s0 =	rddreg [dreg:$0x2];
	s3 =	srdreg.scid  }
0x4: {  	s12 =	stileid.u32;
	s4 =	rddreg [dreg:$0x3]  }
0x5: {  	s5 =	simm.s32 $0x0;
	s28 =	simm.s32 $0x80;
	s6 =	smul.u32 $0x2800, s12  }
0x6: {  	s29 =	simm.s32 $0x4;
	s30 =	simm.s32 $0x4400;
	s8 =	smul.u32 $0x50000, s12  }
0x7: {  	s31 =	simm.s32 $0x1;
	s3 =	sand.u32 $0x1, s3;
	s14 =	smul.u32 $0x2700, s12  }
0x8: {  	[smem:$0x7FF] =	sst s5;
	s17 =	sshll.u32 s12, $0x5;
	s7 =	smul.u32 $0x28000, s3  }
0x9: {  	_ =	strace $0x8000004A;
	s22 =	sshll.u32 s3, $0x4;
	s9 =	ssub.s32 $0x2, s3  }
0xa: {  	s3 =	smul.u32 $0x27000, s3;
	s11 =	sor.u32 s12, s22;
	s23 =	sshrl.u32 s8, $0x2  }
0xb: {  	s24 =	sshrl.u32 s9, $0x1;
	s8 =	simm.s32 $0x6;
	s12 =	simm.s32 $0x0  }
0xc: {  	s7 =	sadd.s32 s6, s7;
	s10 =	smul.u32 $0x2700, s11;
	s6 =	sadd.s32 s23, s4  }
0xd: {  	s25 =	ssub.s32 s9, s24;
	s3 =	sadd.s32 s14, s3;
	p0 =	sgt.u32 s11, $0x3  }
0xe: {  	s11 =	simm.s32 $0x380;
	s0 =	sadd.s32 s7, s0;
	s26 =	sadd.s32 $0x4000, s6  }
0xf: {  	s9 =	sadd.s32 $0x8000, s6;
	s13 =	sadd.s32 $0xC000, s6;
	[dreg:$0x6] =	wrdreg s26  }
0x10: {  	s15 =	sadd.s32 $0x10000, s6;
	s21 =	sadd.s32 $0x380, s3;
	[dreg:$0x7] =	wrdreg s9  }
0x11: {  	s23 =	sadd.s32 $0x300, s3;
	s24 =	sadd.s32 $0x280, s3;
	[dreg:$0x8] =	wrdreg s13  }
0x12: {  	s7 =	simm.s32 $0x180;
	s10 =	sshrl.u32 s10, $0x2;
	[dreg:$0x9] =	wrdreg s15  }
0x13: {  	s9 =	sadd.s32 s17, s2;
	s0 =	sadd.s32 $0x1E00, s0;
	s17 =	smax.u32 s25, $0x1  }
0x14: {  	s22 =	sshrl.u32 s21, $0x2;
	s25 =	sshrl.u32 s23, $0x2;
	s26 =	sshrl.u32 s24, $0x2  }
0x15: {  	s21 =	simm.s32 $0x400;
	s23 =	simm.s32 $0x100;
	s24 =	simm.s32 $0x200  }
0x16: {  	s10 =	sadd.s32 s2, s10;
	s20 =	sadd.s32 $0x13800, s9;
	[dreg:$0xe] =	wrdreg s0  }
0x17: {  	s0 =	sadd.s32 s22, s2;
	s22 =	simm.s32 $0x7;
	[dreg:$0xd] =	wrdreg s20  }
0x18: {  	s9 =	simm.s32 $0x280;
	s16 =	sadd.s32 $0x20, s10;
	[dreg:$0x5] =	wrdreg s0  }
0x19: {  	s18 =	sadd.s32 $0x40, s10;
	s19 =	sadd.s32 $0x60, s10;
	[dreg:$0xa] =	wrdreg s16  }
0x1a: {  	s20 =	sadd.s32 $0x200, s3;
	s3 =	simm.s32 $0x5;
	[dreg:$0xb] =	wrdreg s18  }
0x1b: {  	s0 =	simm.s32 $0x2;
	[dreg:$0xc] =	wrdreg s19;
	s18 =	sadd.s32 s25, s2  }
0x1c: {  	v0 =	vimm.f32 $0.0e+00;
	s19 =	sadd.s32 s26, s2;
	s25 =	simm.s32 $0x300;
	s26 =	simm.s32 $0x3  }
.LBB2_1:
0x1d: {  	s13 =	simm.s32 $0x0;
	s14 =	simm.s32 $0x200  }
.LBB2_2:
0x1e: {  	p1 =	sne.s32 s14, $0xFE00;
	[tilespmem:s13+$0x470] =	vst v0  }
0x1f: {  	[tilespmem:s13+$0x400] =	vst v0  }
0x20: {  	[tilespmem:s13+$0x410] =	vst v0  }
.Ltmp0:
0x21: {  	[tilespmem:s13+$0x420] =	vst v0;
	(pc) =	sbr.rel @p1 .LBB2_2-.Ltmp0, $4  }
0x22: {  	[tilespmem:s13+$0x430] =	vst v0  }
0x23: {  	[tilespmem:s13+$0x440] =	vst v0  }
0x24: {  	[tilespmem:s13+$0x450] =	vst v0  }
0x25: {  	[tilespmem:s13+$0x460] =	vst v0;
	s13 =	sshra.s32 s14, $0x2;
	s14 =	sadd.s32 $0x200, s14  }
0x26: {  	[tilespmem:s13+$0x470] =	vst v0  }
0x27: {  	[tilespmem:s13+$0x400] =	vst v0  }
0x28: {  	[tilespmem:s13+$0x410] =	vst v0  }
0x29: {  	[tilespmem:s13+$0x420] =	vst v0  }
0x2a: {  	[tilespmem:s13+$0x430] =	vst v0  }
0x2b: {  	[tilespmem:s13+$0x440] =	vst v0  }
0x2c: {  	[tilespmem:s13+$0x450] =	vst v0  }
0x2d: {  	[tilespmem:s13+$0x460] =	vst v0  }
0x2e: {  	[spmem:s6] =	stream.linear.scatter [tilespmem:s21], [sflag:$0x7], $0x4000, $0x38;
	[tilespmem:$0x1C400] =	vst v63  }
0x2f: {  	_ =	swait.ge [sflag:s22], $0x4000  }
0x30: {  	[sflag:s22] =	ssyncset.done $0x0  }
0x31: {  	s15 =	rddreg [dreg:$0x6];
	[sflag:s22] =	ssyncadd.s32 $0xFFFFC000  }
0x32: {  	[spmem:s15] =	stream.linear.scatter [tilespmem:s21], [sflag:$0x7], $0x4000, $0x38;
	[tilespmem:$0x1C400] =	vst v63  }
0x33: {  	_ =	swait.ge [sflag:s22], $0x4000  }
0x34: {  	[sflag:s22] =	ssyncset.done $0x0  }
0x35: {  	s16 =	rddreg [dreg:$0x7];
	[sflag:s22] =	ssyncadd.s32 $0xFFFFC000  }
0x36: {  	[spmem:s16] =	stream.linear.scatter [tilespmem:s21], [sflag:$0x7], $0x4000, $0x38;
	[tilespmem:$0x1C400] =	vst v63  }
0x37: {  	_ =	swait.ge [sflag:s22], $0x4000  }
0x38: {  	[sflag:s22] =	ssyncset.done $0x0  }
0x39: {  	s14 =	rddreg [dreg:$0x8];
	[sflag:s22] =	ssyncadd.s32 $0xFFFFC000  }
0x3a: {  	[spmem:s14] =	stream.linear.scatter [tilespmem:s21], [sflag:$0x7], $0x4000, $0x38;
	[tilespmem:$0x1C400] =	vst v63  }
0x3b: {  	_ =	swait.ge [sflag:s22], $0x4000  }
0x3c: {  	[sflag:s22] =	ssyncset.done $0x0  }
0x3d: {  	s15 =	rddreg [dreg:$0x9];
	[sflag:s22] =	ssyncadd.s32 $0xFFFFC000  }
0x3e: {  	[spmem:s15] =	stream.linear.scatter [tilespmem:s21], [sflag:$0x7], $0x4000, $0x38;
	[tilespmem:$0x1C400] =	vst v63  }
0x3f: {  	_ =	swait.ge [sflag:s22], $0x4000  }
0x40: {  	[sflag:s22] =	ssyncset.done $0x0  }
0x41: {  	[sflag:s22] =	ssyncadd.s32 $0xFFFFC000  }
0x42: {  	s13 =	simm.s32 $0x0;
	[bflag:$0x0] =	sbarrier.arrive $0xFFFF  }
0x43: {  	[tilespmem:s13], [sflag:$0x3] =	stream.linear.gather [hbm4b:s10+s13], $0x100, $0x38;
	[tilespmem:$0x1C400] =	vst v63  }
0x44: {  	s14 =	rddreg [dreg:$0xa]  }
0x45: {  	[tilespmem:s23], [sflag:$0x4] =	stream.linear.gather [hbm4b:s14+s13], $0x100, $0x38;
	[tilespmem:$0x1C400] =	vst v63  }
0x46: {  	s16 =	rddreg [dreg:$0xb]  }
0x47: {  	[tilespmem:s24], [sflag:$0x5] =	stream.linear.gather [hbm4b:s16+s13], $0x100, $0x38;
	[tilespmem:$0x1C400] =	vst v63  }
0x48: {  	s15 =	rddreg [dreg:$0xc]  }
0x49: {  	[tilespmem:s25], [sflag:$0x6] =	stream.linear.gather [hbm4b:s15+s13], $0x100, $0x38;
	[tilespmem:$0x1C400] =	vst v63  }
0x4a: {  	_ =	swait.ge [sflag:s26], $0x100  }
0x4b: {  	[sflag:s26] =	ssyncset.done $0x0  }
0x4c: {  	[sflag:s26] =	ssyncadd.s32 $0xFFFFFF00  }
0x4d: {  	[tilespmem:s21], [sflag:$0x1] =	stream.indirect.gather [hbm4b:s1+s28], $0x80, s13, s28, $0xb8;
	[tilespmem:$0x1C400] =	vst v63  }
0x4e: {  	_ =	swait.ge [sflag:s29], $0x100  }
0x4f: {  	[sflag:s29] =	ssyncset.done $0x0  }
0x50: {  	[sflag:s29] =	ssyncadd.s32 $0xFFFFFF00  }
0x51: {  	[tilespmem:s30], [sflag:$0x2] =	stream.indirect.gather [hbm4b:s1+s28], $0x80, s23, s28, $0xb8;
	[tilespmem:$0x1C400] =	vst v63  }
0x52: {  	_ =	swait.ge [sflag:s31], $0x4000  }
0x53: {  	[sflag:s31] =	ssyncset.done $0x0  }
0x54: {  	[sflag:s31] =	ssyncadd.s32 $0xFFFFC000  }
0x55: {  	[spmem:s4] =	stream.indirect.scatter.add.f32 [tilespmem:s21], [sflag:$0x7], $0x80, s28, s28, $0xb8;
	[tilespmem:$0x1C400] =	vst v63  }
0x56: {  	_ =	swait.ge [sflag:s22], $0x4000  }
0x57: {  	s16 =	sshrl.u32 s20, $0x2;
	[sflag:s22] =	ssyncset.done $0x0  }
0x58: {  	s13 =	sadd.s32 s2, s16;
	[sflag:s22] =	ssyncadd.s32 $0xFFFFC000  }
0x59: {  	[tilespmem:s5], [sflag:$0x3] =	stream.linear.gather [hbm4b:s13+s5], $0x100, $0x38;
	[tilespmem:$0x1C400] =	vst v63  }
0x5a: {  	_ =	swait.ge [sflag:s3], $0x100  }
0x5b: {  	[sflag:s3] =	ssyncset.done $0x0  }
0x5c: {  	[sflag:s3] =	ssyncadd.s32 $0xFFFFFF00  }
0x5d: {  	[tilespmem:s21], [sflag:$0x1] =	stream.indirect.gather [hbm4b:s1+s28], $0x80, s24, s28, $0xb8;
	[tilespmem:$0x1C400] =	vst v63  }
0x5e: {  	_ =	swait.ge [sflag:s0], $0x4000  }
0x5f: {  	[sflag:s0] =	ssyncset.done $0x0  }
0x60: {  	[sflag:s0] =	ssyncadd.s32 $0xFFFFC000  }
0x61: {  	[spmem:s4] =	stream.indirect.scatter.add.f32 [tilespmem:s30], [sflag:$0x7], $0x80, s7, s28, $0xb8;
	[tilespmem:$0x1C400] =	vst v63  }
0x62: {  	_ =	swait.ge [sflag:s22], $0x4000  }
0x63: {  	[sflag:s22] =	ssyncset.done $0x0  }
0x64: {  	s14 =	sadd.s32 $0x0, s19;
	[sflag:s22] =	ssyncadd.s32 $0xFFFFC000  }
0x65: {  	[tilespmem:s23], [sflag:$0x4] =	stream.linear.gather [hbm4b:s14+s5], $0x100, $0x38;
	[tilespmem:$0x1C400] =	vst v63  }
0x66: {  	_ =	swait.ge [sflag:s8], $0x100  }
0x67: {  	[sflag:s8] =	ssyncset.done $0x0  }
0x68: {  	[sflag:s8] =	ssyncadd.s32 $0xFFFFFF00  }
0x69: {  	[tilespmem:s30], [sflag:$0x2] =	stream.indirect.gather [hbm4b:s1+s28], $0x80, s25, s28, $0xb8;
	[tilespmem:$0x1C400] =	vst v63  }
0x6a: {  	_ =	swait.ge [sflag:s31], $0x4000  }
0x6b: {  	[sflag:s31] =	ssyncset.done $0x0  }
0x6c: {  	[sflag:s31] =	ssyncadd.s32 $0xFFFFC000  }
0x6d: {  	[spmem:s4] =	stream.indirect.scatter.add.f32 [tilespmem:s21], [sflag:$0x7], $0x80, s9, s28, $0xb8;
	[tilespmem:$0x1C400] =	vst v63  }
0x6e: {  	_ =	swait.ge [sflag:s22], $0x4000  }
0x6f: {  	[sflag:s22] =	ssyncset.done $0x0  }
0x70: {  	s15 =	sadd.s32 $0x0, s18;
	[sflag:s22] =	ssyncadd.s32 $0xFFFFC000  }
0x71: {  	[tilespmem:s24], [sflag:$0x5] =	stream.linear.gather [hbm4b:s15+s5], $0x100, $0x38;
	[tilespmem:$0x1C400] =	vst v63  }
0x72: {  	_ =	swait.ge [sflag:s26], $0x100  }
0x73: {  	[sflag:s26] =	ssyncset.done $0x0  }
0x74: {  	[sflag:s26] =	ssyncadd.s32 $0xFFFFFF00  }
0x75: {  	[tilespmem:s21], [sflag:$0x1] =	stream.indirect.gather [hbm4b:s1+s28], $0x80, s5, s28, $0xb8;
	[tilespmem:$0x1C400] =	vst v63  }
0x76: {  	_ =	swait.ge [sflag:s0], $0x4000  }
0x77: {  	[sflag:s0] =	ssyncset.done $0x0  }
0x78: {  	[sflag:s0] =	ssyncadd.s32 $0xFFFFC000  }
0x79: {  	[spmem:s4] =	stream.indirect.scatter.add.f32 [tilespmem:s30], [sflag:$0x7], $0x80, s11, s28, $0xb8;
	[tilespmem:$0x1C400] =	vst v63  }
0x7a: {  	_ =	swait.ge [sflag:s22], $0x4000  }
0x7b: {  	s16 =	rddreg [dreg:$0x5];
	[sflag:s22] =	ssyncset.done $0x0  }
0x7c: {  	[sflag:s22] =	ssyncadd.s32 $0xFFFFC000;
	s13 =	sadd.s32 $0x0, s16  }
0x7d: {  	[tilespmem:s25], [sflag:$0x6] =	stream.linear.gather [hbm4b:s13+s5], $0x100, $0x38;
	[tilespmem:$0x1C400] =	vst v63  }
0x7e: {  	_ =	swait.ge [sflag:s29], $0x100  }
0x7f: {  	[sflag:s29] =	ssyncset.done $0x0  }
0x80: {  	s14 =	sadd.s32 $0x200, s20;
	s13 =	simm.s32 $0x80;
	[sflag:s29] =	ssyncadd.s32 $0xFFFFFF00  }
.LBB2_4:
0x81: {  	[tilespmem:s30], [sflag:$0x2] =	stream.indirect.gather [hbm4b:s1+s28], $0x80, s23, s28, $0xb8;
	[tilespmem:$0x1C400] =	vst v63  }
0x82: {  	_ =	swait.ge [sflag:s31], $0x4000  }
0x83: {  	[sflag:s31] =	ssyncset.done $0x0  }
0x84: {  	[sflag:s31] =	ssyncadd.s32 $0xFFFFC000  }
0x85: {  	[spmem:s4] =	stream.indirect.scatter.add.f32 [tilespmem:s21], [sflag:$0x7], $0x80, s28, s28, $0xb8;
	[tilespmem:$0x1C400] =	vst v63  }
0x86: {  	_ =	swait.ge [sflag:s22], $0x4000  }
0x87: {  	s16 =	sshrl.u32 s14, $0x2;
	[sflag:s22] =	ssyncset.done $0x0  }
0x88: {  	s16 =	sadd.s32 s2, s16;
	[sflag:s22] =	ssyncadd.s32 $0xFFFFC000  }
0x89: {  	[tilespmem:s5], [sflag:$0x3] =	stream.linear.gather [hbm4b:s16+s5], $0x100, $0x38;
	[tilespmem:$0x1C400] =	vst v63  }
0x8a: {  	_ =	swait.ge [sflag:s3], $0x100  }
0x8b: {  	[sflag:s3] =	ssyncset.done $0x0  }
0x8c: {  	[sflag:s3] =	ssyncadd.s32 $0xFFFFFF00  }
0x8d: {  	[tilespmem:s21], [sflag:$0x1] =	stream.indirect.gather [hbm4b:s1+s28], $0x80, s24, s28, $0xb8;
	[tilespmem:$0x1C400] =	vst v63  }
0x8e: {  	_ =	swait.ge [sflag:s0], $0x4000  }
0x8f: {  	[sflag:s0] =	ssyncset.done $0x0  }
0x90: {  	[sflag:s0] =	ssyncadd.s32 $0xFFFFC000  }
0x91: {  	[spmem:s4] =	stream.indirect.scatter.add.f32 [tilespmem:s30], [sflag:$0x7], $0x80, s7, s28, $0xb8;
	[tilespmem:$0x1C400] =	vst v63  }
0x92: {  	_ =	swait.ge [sflag:s22], $0x4000  }
0x93: {  	s15 =	smov.u32 s13;
	[sflag:s22] =	ssyncset.done $0x0  }
0x94: {  	s16 =	sadd.s32 s15, s19;
	[sflag:s22] =	ssyncadd.s32 $0xFFFFC000  }
0x95: {  	[tilespmem:s23], [sflag:$0x4] =	stream.linear.gather [hbm4b:s16+s5], $0x100, $0x38;
	[tilespmem:$0x1C400] =	vst v63  }
0x96: {  	_ =	swait.ge [sflag:s8], $0x100  }
0x97: {  	[sflag:s8] =	ssyncset.done $0x0  }
0x98: {  	[sflag:s8] =	ssyncadd.s32 $0xFFFFFF00  }
0x99: {  	[tilespmem:s30], [sflag:$0x2] =	stream.indirect.gather [hbm4b:s1+s28], $0x80, s25, s28, $0xb8;
	[tilespmem:$0x1C400] =	vst v63  }
0x9a: {  	_ =	swait.ge [sflag:s31], $0x4000  }
0x9b: {  	[sflag:s31] =	ssyncset.done $0x0  }
0x9c: {  	[sflag:s31] =	ssyncadd.s32 $0xFFFFC000  }
0x9d: {  	[spmem:s4] =	stream.indirect.scatter.add.f32 [tilespmem:s21], [sflag:$0x7], $0x80, s9, s28, $0xb8;
	[tilespmem:$0x1C400] =	vst v63  }
0x9e: {  	_ =	swait.ge [sflag:s22], $0x4000  }
0x9f: {  	[sflag:s22] =	ssyncset.done $0x0  }
0xa0: {  	s16 =	sadd.s32 s15, s18;
	[sflag:s22] =	ssyncadd.s32 $0xFFFFC000  }
0xa1: {  	[tilespmem:s24], [sflag:$0x5] =	stream.linear.gather [hbm4b:s16+s5], $0x100, $0x38;
	[tilespmem:$0x1C400] =	vst v63  }
0xa2: {  	_ =	swait.ge [sflag:s26], $0x100  }
0xa3: {  	[sflag:s26] =	ssyncset.done $0x0  }
0xa4: {  	[sflag:s26] =	ssyncadd.s32 $0xFFFFFF00  }
0xa5: {  	[tilespmem:s21], [sflag:$0x1] =	stream.indirect.gather [hbm4b:s1+s28], $0x80, s5, s28, $0xb8;
	[tilespmem:$0x1C400] =	vst v63  }
0xa6: {  	_ =	swait.ge [sflag:s0], $0x4000  }
0xa7: {  	[sflag:s0] =	ssyncset.done $0x0  }
0xa8: {  	[sflag:s0] =	ssyncadd.s32 $0xFFFFC000  }
0xa9: {  	[spmem:s4] =	stream.indirect.scatter.add.f32 [tilespmem:s30], [sflag:$0x7], $0x80, s11, s28, $0xb8;
	[tilespmem:$0x1C400] =	vst v63  }
0xaa: {  	_ =	swait.ge [sflag:s22], $0x4000  }
0xab: {  	p1 =	sne.s32 s13, $0x900;
	s16 =	rddreg [dreg:$0x5];
	[sflag:s22] =	ssyncset.done $0x0  }
.Ltmp1:
0xac: {  	[sflag:s22] =	ssyncadd.s32 $0xFFFFC000;
	s15 =	sadd.s32 s15, s16;
	(pc) =	sbr.rel @p1 .LBB2_4-.Ltmp1, $4  }
0xad: {  	[tilespmem:s25], [sflag:$0x6] =	stream.linear.gather [hbm4b:s15+s5], $0x100, $0x38;
	[tilespmem:$0x1C400] =	vst v63  }
0xae: {  	_ =	swait.ge [sflag:s29], $0x100  }
0xaf: {  	[sflag:s29] =	ssyncset.done $0x0  }
0xb0: {  	s13 =	sadd.s32 $0x80, s13;
	s14 =	sadd.s32 $0x200, s14;
	[sflag:s29] =	ssyncadd.s32 $0xFFFFFF00  }
0xb1: {  	[tilespmem:s30], [sflag:$0x2] =	stream.indirect.gather [hbm4b:s1+s28], $0x80, s23, s28, $0xb8;
	[tilespmem:$0x1C400] =	vst v63  }
0xb2: {  	_ =	swait.ge [sflag:s31], $0x4000  }
0xb3: {  	[sflag:s31] =	ssyncset.done $0x0  }
0xb4: {  	[sflag:s31] =	ssyncadd.s32 $0xFFFFC000  }
0xb5: {  	[spmem:s4] =	stream.indirect.scatter.add.f32 [tilespmem:s21], [sflag:$0x7], $0x80, s28, s28, $0xb8;
	[tilespmem:$0x1C400] =	vst v63  }
0xb6: {  	_ =	swait.ge [sflag:s22], $0x4000  }
0xb7: {  	[sflag:s22] =	ssyncset.done $0x0  }
0xb8: {  	[sflag:s22] =	ssyncadd.s32 $0xFFFFC000  }
0xb9: {  	_ =	swait.ge [sflag:s0], $0x4000  }
0xba: {  	[sflag:s0] =	ssyncset.done $0x0  }
0xbb: {  	[sflag:s0] =	ssyncadd.s32 $0xFFFFC000  }
0xbc: {  	[spmem:s4] =	stream.indirect.scatter.add.f32 [tilespmem:s30], [sflag:$0x7], $0x80, s7, s28, $0xb8;
	[tilespmem:$0x1C400] =	vst v63  }
0xbd: {  	_ =	swait.ge [sflag:s22], $0x4000  }
0xbe: {  	[sflag:s22] =	ssyncset.done $0x0  }
0xbf: {  	[sflag:s22] =	ssyncadd.s32 $0xFFFFC000  }
0xc0: {  	_ =	swait.ge [sflag:s3], $0x100  }
0xc1: {  	[sflag:s3] =	ssyncset.done $0x0  }
0xc2: {  	[sflag:s3] =	ssyncadd.s32 $0xFFFFFF00  }
0xc3: {  	_ =	swait.ge [sflag:s8], $0x100  }
0xc4: {  	[sflag:s8] =	ssyncset.done $0x0  }
0xc5: {  	s13 =	simm.s32 @!p0 $0x0;
	s14 =	rddreg [dreg:$0xd];
	[sflag:s8] =	ssyncadd.s32 $0xFFFFFF00  }
0xc6: {  	[tilespmem:s13], [sflag:$0x3] =	stream.linear.gather @!p0 [hbm4b:s14+s13], $0x100, $0x38;
	[tilespmem:$0x1C400] =	vst v63  }
0xc7: {  	s14 =	simm.s32 @!p0 $0x3  }
0xc8: {  	_ =	swait.ge @!p0 [sflag:s14], $0x100  }
0xc9: {  	[sflag:s14] =	ssyncset.done @!p0 $0x0  }
0xca: {  	s15 =	simm.s32 @!p0 $0x400;
	[sflag:s14] =	ssyncadd.s32 @!p0 $0xFFFFFF00;
	s14 =	simm.s32 @!p0 $0x80  }
0xcb: {  	[tilespmem:s15], [sflag:$0x1] =	stream.indirect.gather @!p0 [hbm4b:s1+s14], $0x80, s13, s14, $0xb8;
	[tilespmem:$0x1C400] =	vst v63  }
0xcc: {  	s13 =	simm.s32 @!p0 $0x1  }
0xcd: {  	_ =	swait.ge @!p0 [sflag:s13], $0x4000  }
0xce: {  	[sflag:s13] =	ssyncset.done @!p0 $0x0  }
0xcf: {  	[sflag:s13] =	ssyncadd.s32 @!p0 $0xFFFFC000;
	s13 =	simm.s32 @!p0 $0x7  }
0xd0: {  	[spmem:s4] =	stream.indirect.scatter.add.f32 @!p0 [tilespmem:s15], [sflag:$0x7], $0x80, s14, s14, $0xb8;
	[tilespmem:$0x1C400] =	vst v63  }
0xd1: {  	_ =	swait.ge @!p0 [sflag:s13], $0x4000  }
0xd2: {  	s12 =	sadd.s32 $0x1, s12;
	[sflag:s13] =	ssyncset.done @!p0 $0x0  }
0xd3: {  	p1 =	sne.s32 s12, s17;
	s14 =	stileid.u32;
	[sflag:s13] =	ssyncadd.s32 @!p0 $0xFFFFC000  }
0xd4: {  	s15 =	sshrl.u32 s6, $0x3;
	s13 =	sshll.u32 s14, $0x6;
	[bflag:$0x0] =	sbarrier.arrive $0xFFFF  }
.Ltmp2:
0xd5: {  	s13 =	sor.u32 $0x1C07, s13;
	s16 =	rddreg [dreg:$0xe];
	(pc) =	sbr.rel @p1 .LBB2_1-.Ltmp2, $4  }
0xd6: {  	[hbm:s16], [sflag:s13] =	dma.local [spmem:s15], $0x2800  }
0xd7: {  	_ =	swait.ge [sflag:s22], $0x2800  }
0xd8: {  	[sflag:s22] =	ssyncset.done $0x0  }
0xd9: {  	[sflag:s22] =	ssyncadd.s32 $0xFFFFD800  }
0xda: {  	_ =	sfence.sel $0x180000  }
0xdb: {  	[bflag:$0x0] =	sbarrier.arrive $0xFFFF  }
0xdc: {  	_ =	strace $0x9000004A  }
0xdd: {  	s0 =	stileid.u32;
	[bflag:$0x2] =	sbarrier.arrive $0xFFFF  }
0xde: {  	p0 =	sne.s32 s0, $0x0;
	s0 =	rddreg [dreg:$0x4]  }
0xdf: {  	s0 =	sadd.s32 @!p0 $0x100000, s0  }
0xe0: {  	[sflag:s0] =	ssyncadd.tile.s32 @!p0 $0x1;
	_ =	shalt  }
.Lfunc_end2:
_tile_overlayer_lowered:
.L_overlay_start_2:
0xe1: {  	(tag) =	ssettag $0x2  }
0xe2: {  	s0 =	rddreg [dreg:$0x0];
	s2 =	stileid.u32  }
0xe3: {  	s1 =	rddreg [dreg:$0x1];
	p0 =	sne.s32 s2, $0x0  }
0xe4: {  	s3 =	rddreg [dreg:$0x2];
	[bflag:$0x3] =	sbarrier.arrive $0xFFFF;
	s2 =	simm.s32 @!p0 $0x1C07  }
0xe5: {  	[timem:s3], [sflag:s2] =	dma.local @!p0 [hbm:s0], s1  }
0xe6: {  	s0 =	simm.s32 @!p0 $0x7  }
0xe7: {  	_ =	swait.ge @!p0 [sflag:s0], s1  }
0xe8: {  	s1 =	ssub.s32 @!p0 $0x0, s1;
	[sflag:s0] =	ssyncset.done @!p0 $0x0  }
0xe9: {  	[sflag:s0] =	ssyncadd.s32 @!p0 s1  }
0xea: {  	[bflag:$0x3] =	sbarrier.arrive $0xFFFF  }
0xeb: {  	_ =	shalt  }

// kernel: kernel.7.cloned.1.call-start
scs
__scs_entry_jumppad:
0x0: {  	(pc) =	sbr.rel $0x88, $3  }
0x1: {  	(tag) =	ssettag $0x0;
	lr =	simm.s32 $0x1  }
0x2: {  	[smem:$0x3F99] =	sst lr;
	_ =	strace $0xD0000000  }
0x3: {  	_ = 	snop  }
0x4: {  	_ = 	snop  }
0x5: {  	_ = 	snop  }
0x6: {  	_ = 	snop  }
0x7: {  	_ = 	snop  }
__scs_overlays_trampoline_lowered:
0x8: {  	[smem:$0x3FA8] =	sst s0  }
0x9: {  	[smem:$0x3FA9] =	sst s1  }
0xa: {  	[smem:$0x3FAA] =	sst s2  }
0xb: {  	[smem:$0x3FAB] =	sst s3  }
0xc: {  	[smem:$0x3FAC] =	sst s4  }
0xd: {  	[smem:$0x3FAD] =	sst s5  }
0xe: {  	[smem:$0x3FAE] =	sst s6  }
0xf: {  	[smem:$0x3FAF] =	sst s7  }
0x10: {  	[smem:$0x3FB0] =	sst s8  }
0x11: {  	[smem:$0x3FB1] =	sst s9;
	s0 =	simm.s32 @!p0 $0x0  }
0x12: {  	s1 =	sld [smem:$0x3F97];
	s0 =	simm.s32 @p0 $0x1  }
0x13: {  	[smem:$0x3FB2] =	sst s0;
	s0 =	simm.s32 @!p1 $0x0  }
0x14: {  	s2 =	sld [smem:$0x3F96];
	s0 =	simm.s32 @p1 $0x1  }
0x15: {  	[smem:$0x3FB3] =	sst s0;
	s0 =	simm.s32 @!p2 $0x0  }
0x16: {  	s3 =	sld [smem:$0x3FDB];
	s0 =	simm.s32 @p2 $0x1  }
0x17: {  	s4 =	simm.s32 $0x1BF5;
	[smem:$0x3FB5] =	sst s0  }
0x18: {  	s0 =	sld [smem:$0x3F98];
	_ =	swait.ge [sflag:s4], $0x0  }
0x19: {  	s7 =	sld [smem:$0x3F99]  }
0x1a: {  	s8 =	sadd.s32 $0xFFFFE003, lr  }
0x1b: {  	s9 =	sadd.s32 $0xFFFFFEF7, lr;
	s5 =	simm.s32 $0xFFFFFFFF;
	p2 =	slt.u32 s8, $0xFFFFF086  }
0x1c: {  	p1 =	slt.u32 s9, $0xF7A;
	s5 =	simm.s32 @!p2 $0x0  }
0x1d: {  	s5 =	simm.s32 @p1 $0x1;
	p0 =	seq.s32 s7, s2  }
0x1e: {  	s7 =	smul.u32 @!p0 $0xF7A, s2;
	p2 =	seq.s32 @!p0 s5, $0x0  }
0x1f: {  	s9 =	smul.u32 $0xF7A, s1;
	s8 =	simm.s32 @!p0 $0x1BF5;
	p2 =	por !p2, p0  }
0x20: {  	[sflag:s8] =	ssyncset.s32 @!p0 $0xFFFFF086;
	s6 =	sadd.s32 @!p0 s3, s7;
	s7 =	simm.s32 @!p0 $0x108  }
0x21: {  	s3 =	sadd.s32 s3, s9;
	s6 =	sadd.s32 @!p0 $0x88, s6;
	s7 =	simm.s32 @p2 $0x1082  }
0x22: {  	[simem:s7], [sflag:s8] =	dma.local @!p0 [hbm:s6], $0xF7A  }
0x23: {  	s9 =	sor.u32 $0xD0000000, s2;
	s6 =	simm.s32 $0x108;
	_ =	swait.ge @!p0 [sflag:s8], $0x0  }
0x24: {  	s3 =	sadd.s32 $0x88, s3;
	s6 =	simm.s32 @!p1 $0x1082;
	[sflag:s4] =	ssyncset.s32 $0xFFFFF086  }
0x25: {  	[simem:s6], [sflag:s4] =	dma.local [hbm:s3], $0xF7A  }
0x26: {  	[smem:$0x3F99] =	sst s1;
	(tag) =	ssettag s2;
	_ =	strace s9  }
0x27: {  	s1 =	sld [smem:$0x3FA9]  }
0x28: {  	s2 =	sld [smem:$0x3FAA]  }
0x29: {  	s4 =	sld [smem:$0x3FAC]  }
0x2a: {  	p0 =	seq.s32 s5, $0x0;
	s5 =	sld [smem:$0x3FAD]  }
0x2b: {  	s6 =	sld [smem:$0x3FAE]  }
0x2c: {  	s7 =	sld [smem:$0x3FAF]  }
0x2d: {  	s3 =	simm.s32 $0x108;
	s8 =	sld [smem:$0x3FB0]  }
0x2e: {  	s3 =	simm.s32 @!p0 $0x1082;
	s9 =	sld [smem:$0x3FB1]  }
0x2f: {  	lr =	sadd.s32 s0, s3;
	s0 =	sld [smem:$0x3FA8]  }
0x30: {  	s3 =	sld [smem:$0x3FAB]  }
0x31: {  	[smem:$0x3FB4] =	sst s10  }
0x32: {  	s10 =	sld [smem:$0x3FB2];
	_ =	sdelay $0x3  }
0x33: {  	p0 =	seq.s32 s10, $0x1;
	s10 =	sld [smem:$0x3FB4];
	_ =	sdelay $0x3  }
0x34: {  	[smem:$0x3FB4] =	sst s10  }
0x35: {  	s10 =	sld [smem:$0x3FB3];
	_ =	sdelay $0x3  }
0x36: {  	p1 =	seq.s32 s10, $0x1;
	s10 =	sld [smem:$0x3FB4];
	_ =	sdelay $0x3  }
0x37: {  	[smem:$0x3FB4] =	sst s10  }
0x38: {  	s10 =	sld [smem:$0x3FB5]  }
0x39: {  	_ = 	snop;
	(pc) =	sbr.ind lr, $3  }
0x3a: {  	_ = 	snop  }
0x3b: {  	_ = 	snop  }
0x3c: {  	p2 =	seq.s32 s10, $0x1;
	s10 =	sld [smem:$0x3FB4]  }
0x3d: {  	_ =	shalt  }
0x3e: {  	_ =	shalt  }
0x3f: {  	_ =	shalt  }
0x40: {  	_ =	shalt  }
0x41: {  	_ =	shalt  }
0x42: {  	_ =	shalt  }
0x43: {  	_ =	shalt  }
0x44: {  	_ =	shalt  }
0x45: {  	_ =	shalt  }
0x46: {  	_ =	shalt  }
0x47: {  	_ =	shalt  }
0x48: {  	_ =	shalt  }
0x49: {  	_ =	shalt  }
0x4a: {  	_ =	shalt  }
0x4b: {  	_ =	shalt  }
0x4c: {  	_ =	shalt  }
0x4d: {  	_ =	shalt  }
0x4e: {  	_ =	shalt  }
0x4f: {  	_ =	shalt  }
0x50: {  	_ =	shalt  }
0x51: {  	_ =	shalt  }
0x52: {  	_ =	shalt  }
0x53: {  	_ =	shalt  }
0x54: {  	_ =	shalt  }
0x55: {  	_ =	shalt  }
0x56: {  	_ =	shalt  }
0x57: {  	_ =	shalt  }
0x58: {  	_ =	shalt  }
0x59: {  	_ =	shalt  }
0x5a: {  	_ =	shalt  }
0x5b: {  	_ =	shalt  }
0x5c: {  	_ =	shalt  }
0x5d: {  	_ =	shalt  }
0x5e: {  	_ =	shalt  }
0x5f: {  	_ =	shalt  }
0x60: {  	_ =	shalt  }
0x61: {  	_ =	shalt  }
0x62: {  	_ =	shalt  }
0x63: {  	_ =	shalt  }
0x64: {  	_ =	shalt  }
0x65: {  	_ =	shalt  }
0x66: {  	_ =	shalt  }
0x67: {  	_ =	shalt  }
0x68: {  	_ =	shalt  }
0x69: {  	_ =	shalt  }
0x6a: {  	_ =	shalt  }
0x6b: {  	_ =	shalt  }
0x6c: {  	_ =	shalt  }
0x6d: {  	_ =	shalt  }
0x6e: {  	_ =	shalt  }
0x6f: {  	_ =	shalt  }
0x70: {  	_ =	shalt  }
0x71: {  	_ =	shalt  }
0x72: {  	_ =	shalt  }
0x73: {  	_ =	shalt  }
0x74: {  	_ =	shalt  }
0x75: {  	_ =	shalt  }
0x76: {  	_ =	shalt  }
0x77: {  	_ =	shalt  }
0x78: {  	_ =	shalt  }
0x79: {  	_ =	shalt  }
0x7a: {  	_ =	shalt  }
0x7b: {  	_ =	shalt  }
0x7c: {  	_ =	shalt  }
0x7d: {  	_ =	shalt  }
0x7e: {  	_ =	shalt  }
0x7f: {  	_ =	shalt  }
0x80: {  	_ =	shalt  }
0x81: {  	_ =	shalt  }
0x82: {  	_ =	shalt  }
0x83: {  	_ =	shalt  }
0x84: {  	_ =	shalt  }
0x85: {  	_ =	shalt  }
0x86: {  	_ =	shalt  }
0x87: {  	_ =	shalt  }
.Lfunc_end0:
.L_simem_size_0:
called_computation_lowered:
.L_overlay_start_0:
0x88: {  	s2 =	sld [smem:$0x3FD9]  }
0x89: {  	s3 =	sld [smem:$0x3FFE];
	_ =	sdelay $0x1  }
0x8a: {  	s1 =	srdreg.scid  }
0x8b: {  	s0 =	sand.u32 $0x1, s1  }
0x8c: {  	s18 =	sshll.u32 s0, $0xA;
	s2 =	sadd.s32 s3, s2  }
0x8d: {  	s2 =	sadd.s32 s2, s18  }
0x8e: {  	[smem:$0x3FC0] =	sst s2  }
0x8f: {  	_ = 	snop  }
0x90: {  	s2 =	sld [smem:$0x3FC8]  }
0x91: {  	s19 =	sld [smem:$0x3FD0];
	(tm) =	ssettm $0x1  }
0x92: {  	s4 =	sld [smem:$0x3FFB];
	_ =	sdelay $0x3  }
0x93: {  	_ =	strace s4  }
0x94: {  	s4 =	sld [smem:$0x3FFC];
	_ =	sdelay $0x3  }
0x95: {  	_ =	strace s4  }
0x96: {  	s4 =	sld [smem:$0x3FFD];
	_ =	sdelay $0x3  }
0x97: {  	_ =	strace s4  }
0x98: {  	_ =	strace $0x8FFFFFFF  }
0x99: {  	s20 =	sld [smem:$0x3FDB];
	_ =	sdelay $0x1  }
0x9a: {  	s5 =	simm.s32 $_scs_section_size  }
0x9b: {  	s6 =	simm.s32 $_size__tile_overlayer_lowered;
	s7 =	simm.s32 $_tile_overlayer_lowered  }
0x9c: {  	s23 =	simm.s32 $0x1BFF;
	s22 =	sshll.u32 s7, $0x1;
	s4 =	sadd.s32 s5, s20  }
0x9d: {  	s8 =	simm.s32 $0x0;
	s21 =	sshll.u32 s6, $0x1;
	s6 =	sadd.s32 s22, s4  }
0x9e: {  	[timem:s8], [sflag:s23] =	dma.local [hbm:s6], s21  }
0x9f: {  	_ =	swait.ge [sflag:s23], s21  }
0xa0: {  	s5 =	ssub.s32 $0x0, s21;
	[sflag:s23] =	ssyncset.done $0x0  }
0xa1: {  	[sflag:s23] =	ssyncadd.s32 s5;
	_ =	sdelay $0x1  }
0xa2: {  	s24 =	simm.s32 $0x1B8B  }
0xa3: {  	_ =	swait.ge [sflag:s24], $0x1  }
0xa4: {  	[sflag:s24] =	ssyncset.done $0x0  }
0xa5: {  	s25 =	simm.s32 $0x1B8E;
	[sflag:s24] =	ssyncadd.s32 $0xFFFFFFFF  }
0xa6: {  	s26 =	simm.s32 $execute0_lowered;
	[smem:$0x3FD2] =	sst s25  }
0xa7: {  	s5 =	sshll.u32 s26, $0x1;
	_ =	strace $0x80000046;
	[dreg:$0x1] =	wrdreg $0xFFFFFFFF  }
0xa8: {  	s28 =	simm.s32 $_size_execute0_lowered;
	s4 =	sadd.s32 s4, s5;
	[dreg:$0x0] =	wrdreg $0x0  }
0xa9: {  	s5 =	sshll.u32 s28, $0x1;
	[dreg:$0x2] =	wrdreg s4  }
0xaa: {  	[dreg:$0x3] =	wrdreg s5  }
0xab: {  	[dreg:$0x4] =	wrdreg $0xC0  }
0xac: {  	_ =	task [dreg:s8], $0x5FFFF  }
0xad: {  	[dreg:$0x1] =	wrdreg $0xFFFFFFFF  }
0xae: {  	[dreg:$0x0] =	wrdreg $0x60  }
0xaf: {  	[dreg:$0x2] =	wrdreg s2  }
0xb0: {  	[dreg:$0x3] =	wrdreg s19  }
0xb1: {  	[dreg:$0x4] =	wrdreg $0x9F000  }
0xb2: {  	[dreg:$0x5] =	wrdreg $0x9  }
0xb3: {  	_ =	task.clear_ibuf [dreg:s8], $0x6FFFF;
	_ =	strace $0x90000046  }
0xb4: {  	s29 =	simm.s32 $0x9;
	_ =	strace $0x80000048  }
0xb5: {  	_ =	swait.ge [sflag:s29], $0x1  }
0xb6: {  	[sflag:s29] =	ssyncadd.s32 $0xFFFFFFFF  }
0xb7: {  	_ =	strace $0x90000048  }
0xb8: {  	_ =	sfence  }
0xb9: {  	s30 =	sld [smem:$0x0];
	_ =	sdelay $0x2  }
0xba: {  	s31 =	sshll.u32 s1, $0xD;
	s1 =	sshrl.u32 s1, $0x2  }
0xbb: {  	s3 =	sand.u32 $0x4000, s31;
	s1 =	sadd.s32 s1, s30  }
0xbc: {  	s0 =	sor.u32 s3, s0;
	s1 =	sshll.u32 s1, $0x11  }
0xbd: {  	s0 =	sor.u32 s1, s0  }
0xbe: {  	s0 =	sadd.s32 $0x8F2B, s0  }
0xbf: {  	[sflag:s0] =	ssyncadd.remote.s32 $0x1  }
0xc0: {  	_ =	sfence.sel $0xFFFF  }
0xc1: {  	[dreg:$0x0] =	wrdreg $0xFFFFFFFF;
	(pc) =	sbr.abs _section_cstart, $3  }
0xc2: {  	[dreg:$0x1] =	wrdreg $0xFFFFFFFF  }
0xc3: {  	_ =	task.clear_ibuf [dreg:s8], $0x2FFFF;
	_ =	strace $0x9FFFFFFF  }
0xc4: {  	(tm) =	ssettm $0x7FFFFFFF  }
0xc5: {  	_ =	shalt  }
tec
execute0_lowered:
.L_overlay_start_1:
0x0: {  	(tag) =	ssettag $0x1  }
0x1: {  	s0 =	rddreg [dreg:$0x0]  }
0x2: {  	s1 =	rddreg [dreg:$0x1]  }
0x3: {  	s2 =	rddreg [dreg:$0x2];
	s3 =	srdreg.scid  }
0x4: {  	s31 =	simm.s32 $0x0;
	s9 =	stileid.u32;
	s28 =	simm.s32 $0x400  }
0x5: {  	s29 =	simm.s32 $0x2;
	s30 =	simm.s32 $0x0;
	s3 =	sand.u32 $0x1, s3  }
0x6: {  	[smem:$0x7FF] =	sst s31;
	s6 =	sshrl.u32 s9, $0x3;
	s22 =	smul.u32 $0x280, s9  }
0x7: {  	s19 =	sshll.u32 s9, $0x5;
	s23 =	sshll.u32 s9, $0x7;
	s6 =	smul.u32 $0x5000, s6  }
0x8: {  	s4 =	sshll.u32 s3, $0x4;
	s18 =	ssub.s32 $0x2, s3;
	s20 =	smul.u32 $0x2800, s3  }
0x9: {  	s24 =	sor.u32 s9, s4;
	s7 =	sshrl.u32 s18, $0x1;
	s9 =	smul.u32 $0xA000, s9  }
0xa: {  	_ =	strace $0x80000047;
	s5 =	smul.u32 $0x9C0, s24;
	s8 =	ssub.s32 s18, s7  }
0xb: {  	s6 =	sshrl.u32 s6, $0x2;
	p0 =	sgt.u32 s24, $0x3;
	s24 =	simm.s32 $0x1  }
0xc: {  	s6 =	sadd.s32 s6, s2;
	s25 =	sshrl.u32 s9, $0x2;
	s8 =	smax.u32 s8, $0x1  }
0xd: {  	s21 =	sadd.s32 s0, s5;
	s0 =	sadd.s32 s19, s0;
	s5 =	sadd.s32 s22, s20  }
0xe: {  	[dreg:$0x4] =	wrdreg s21;
	s4 =	sadd.s32 $0x13800, s0;
	s0 =	sand.u32 $0x380, s23  }
0xf: {  	s26 =	sshrl.u32 s5, $0x3;
	s5 =	sadd.s32 s0, s6;
	s6 =	sadd.s32 s25, s2  }
0x10: {  	s7 =	sadd.s32 s1, s26;
	s25 =	simm.s32 $0x4F00;
	s26 =	simm.s32 $0x80  }
0x11: {  	s9 =	sadd.s32 $0x2800, s5;
	s10 =	sadd.s32 $0x5000, s5;
	s11 =	sadd.s32 $0x7800, s5  }
0x12: {  	s12 =	sadd.s32 $0xA000, s5;
	s13 =	sadd.s32 $0xC800, s5;
	s14 =	sadd.s32 $0xF000, s5  }
0x13: {  	s15 =	sadd.s32 $0x11800, s5;
	s16 =	sadd.s32 $0x14000, s5;
	s17 =	sadd.s32 $0x16800, s5  }
0x14: {  	s18 =	sadd.s32 $0x19000, s5;
	s19 =	sadd.s32 $0x1B800, s5;
	s20 =	sadd.s32 $0x1E000, s5  }
0x15: {  	v0 =	vimm.f32 $0.0e+00;
	v1 =	vimm.f32 $1.000000000e+00;
	s21 =	sadd.s32 $0x20800, s5;
	s22 =	sadd.s32 $0x23000, s5;
	s23 =	sadd.s32 $0x25800, s5  }
.LBB2_1:
0x16: {  	s0 =	rddreg [dreg:$0x4]  }
0x17: {  	[tilespmem:s31], [sflag:$0x1] =	stream.linear.gather [hbm4b:s0+s31], $0x4E00, $0x38;
	[tilespmem:$0xC700] =	vst v63  }
0x18: {  	s1 =	simm.s32 @!p0 $0x4E00;
	s0 =	simm.s32 @!p0 $0x0  }
0x19: {  	[tilespmem:s1], [sflag:$0x1] =	stream.linear.gather @!p0 [hbm4b:s4+s0], $0x100, $0x38;
	[tilespmem:$0xC700] =	vst v63  }
0x1a: {  	s0 =	simm.s32 $0x40;
	s1 =	simm.s32 $0x0  }
.LBB2_2:
0x1b: {  	p1 =	sne.s32 s0, $0x9FC0;
	[tilespmem:s1+$0x4F00] =	vst v0;
	s1 =	smov.u32 s0;
	s0 =	sadd.s32 $0x40, s0  }
.Ltmp0:
0x1c: {  	(pc) =	sbr.rel @p1 .LBB2_2-.Ltmp0, $2  }
0x1d: {  	_ =	sdelay $0x2  }
0x1e: {  	s1 =	sshra.s32 s1, $0x2  }
0x1f: {  	[tilespmem:s1+$0x4F00] =	vst v0  }
0x20: {  	s0 =	simm.s32 $0x0;
	_ =	swait.ge [sflag:s24], $0x4E00  }
0x21: {  	s3 =	sand.u32 $0x70, s0;
	s0 =	sand.u32 $0x7F00, s0;
	[sflag:s24] =	ssyncset.done $0x0  }
0x22: {  	s1 =	sor.u32 s3, s0;
	[sflag:s24] =	ssyncadd.s32 $0xFFFFB200  }
0x23: {  	v2 =	vld [tilespmem:s1+$0x80];
	_ =	sdelay $0x5  }
0x24: {  	s2 =	simm.s32 $0x10;
	s0 =	simm.s32 $0x20  }
0x25: {  	s2 =	sand.u32 $0x70, s2;
	s31 =	sand.u32 $0x7F00, s0;
	s1 =	simm.s32 $0x20  }
.LBB2_4:
0x26: {  	p1 =	sne.s32 s1, $0x26F0;
	s2 =	sor.u32 s2, s31;
	[tilespmem:v2+s25+$0x0] =	vst.idx.add.f32.msk $0xffff, v1  }
0x27: {  	v2 =	vld [tilespmem:s2+$0x80];
	_ =	sdelay $0x2  }
.Ltmp1:
0x28: {  	(pc) =	sbr.rel @p1 .LBB2_4-.Ltmp1, $3  }
0x29: {  	_ =	sdelay $0x1  }
0x2a: {  	s0 =	sadd.s32 $0x20, s0  }
0x2b: {  	s2 =	sand.u32 $0x70, s1;
	s31 =	sand.u32 $0x7F00, s0;
	s1 =	sadd.s32 $0x10, s1  }
0x2c: {  	_ =	sdelay $0x3  }
0x2d: {  	s0 =	sor.u32 s2, s31;
	[tilespmem:v2+s25+$0x0] =	vst.idx.add.f32.msk $0xffff, v1  }
0x2e: {  	v2 =	vld [tilespmem:s0+$0x80];
	_ =	sdelay $0x7  }
0x2f: {  	s0 =	simm.s32 @!p0 $0x1;
	[tilespmem:v2+s25+$0x0] =	vst.idx.add.f32.msk $0xffff, v1  }
0x30: {  	_ =	swait.ge @!p0 [sflag:s0], $0x100  }
0x31: {  	[sflag:s0] =	ssyncset.done @!p0 $0x0  }
0x32: {  	[sflag:s0] =	ssyncadd.s32 @!p0 $0xFFFFFF00  }
0x33: {  	v2 =	vld @!p0 [tilespmem:$0x4E80];
	_ =	sdelay $0x6  }
0x34: {  	v3 =	vimm.f32 @!p0 $1.000000000e+00;
	s0 =	simm.s32 @!p0 $0x4F00  }
0x35: {  	[tilespmem:v2+s0+$0x0] =	vst.idx.add.f32.msk @!p0 $0xffff, v3  }
0x36: {  	v2 =	vld @!p0 [tilespmem:$0x4E90];
	_ =	sdelay $0x7  }
0x37: {  	[tilespmem:v2+s0+$0x0] =	vst.idx.add.f32.msk @!p0 $0xffff, v3  }
0x38: {  	v2 =	vld @!p0 [tilespmem:$0x4EA0];
	_ =	sdelay $0x7  }
0x39: {  	[tilespmem:v2+s0+$0x0] =	vst.idx.add.f32.msk @!p0 $0xffff, v3  }
0x3a: {  	v2 =	vld @!p0 [tilespmem:$0x4EB0];
	_ =	sdelay $0x7  }
0x3b: {  	[tilespmem:v2+s0+$0x0] =	vst.idx.add.f32.msk @!p0 $0xffff, v3  }
0x3c: {  	v2 =	vld @!p0 [tilespmem:$0x4EC0];
	_ =	sdelay $0x7  }
0x3d: {  	[tilespmem:v2+s0+$0x0] =	vst.idx.add.f32.msk @!p0 $0xffff, v3  }
0x3e: {  	v2 =	vld @!p0 [tilespmem:$0x4ED0];
	_ =	sdelay $0x7  }
0x3f: {  	[tilespmem:v2+s0+$0x0] =	vst.idx.add.f32.msk @!p0 $0xffff, v3  }
0x40: {  	v2 =	vld @!p0 [tilespmem:$0x4EE0];
	_ =	sdelay $0x7  }
0x41: {  	[tilespmem:v2+s0+$0x0] =	vst.idx.add.f32.msk @!p0 $0xffff, v3  }
0x42: {  	v2 =	vld @!p0 [tilespmem:$0x4EF0];
	_ =	sdelay $0x7  }
0x43: {  	s31 =	simm.s32 $0x4F00;
	[tilespmem:v2+s0+$0x0] =	vst.idx.add.f32.msk @!p0 $0xffff, v3  }
0x44: {  	[spmem:s5] =	stream.strided.scatter [tilespmem:s31], [sflag:$0x2], $0x280, s28, s26, $0x38;
	[tilespmem:$0xC700] =	vst v63  }
0x45: {  	_ =	swait.ge [sflag:s29], $0x280  }
0x46: {  	[sflag:s29] =	ssyncset.done $0x0  }
0x47: {  	s2 =	simm.s32 $0x5180;
	[sflag:s29] =	ssyncadd.s32 $0xFFFFFD80  }
0x48: {  	[spmem:s9] =	stream.strided.scatter [tilespmem:s2], [sflag:$0x2], $0x280, s28, s26, $0x38;
	[tilespmem:$0xC700] =	vst v63  }
0x49: {  	_ =	swait.ge [sflag:s29], $0x280  }
0x4a: {  	[sflag:s29] =	ssyncset.done $0x0  }
0x4b: {  	s3 =	simm.s32 $0x5400;
	[sflag:s29] =	ssyncadd.s32 $0xFFFFFD80  }
0x4c: {  	[spmem:s10] =	stream.strided.scatter [tilespmem:s3], [sflag:$0x2], $0x280, s28, s26, $0x38;
	[tilespmem:$0xC700] =	vst v63  }
0x4d: {  	_ =	swait.ge [sflag:s29], $0x280  }
0x4e: {  	[sflag:s29] =	ssyncset.done $0x0  }
0x4f: {  	s1 =	simm.s32 $0x5680;
	[sflag:s29] =	ssyncadd.s32 $0xFFFFFD80  }
0x50: {  	[spmem:s11] =	stream.strided.scatter [tilespmem:s1], [sflag:$0x2], $0x280, s28, s26, $0x38;
	[tilespmem:$0xC700] =	vst v63  }
0x51: {  	_ =	swait.ge [sflag:s29], $0x280  }
0x52: {  	[sflag:s29] =	ssyncset.done $0x0  }
0x53: {  	s2 =	simm.s32 $0x5900;
	[sflag:s29] =	ssyncadd.s32 $0xFFFFFD80  }
0x54: {  	[spmem:s12] =	stream.strided.scatter [tilespmem:s2], [sflag:$0x2], $0x280, s28, s26, $0x38;
	[tilespmem:$0xC700] =	vst v63  }
0x55: {  	_ =	swait.ge [sflag:s29], $0x280  }
0x56: {  	[sflag:s29] =	ssyncset.done $0x0  }
0x57: {  	s3 =	simm.s32 $0x5B80;
	[sflag:s29] =	ssyncadd.s32 $0xFFFFFD80  }
0x58: {  	[spmem:s13] =	stream.strided.scatter [tilespmem:s3], [sflag:$0x2], $0x280, s28, s26, $0x38;
	[tilespmem:$0xC700] =	vst v63  }
0x59: {  	_ =	swait.ge [sflag:s29], $0x280  }
0x5a: {  	[sflag:s29] =	ssyncset.done $0x0  }
0x5b: {  	s1 =	simm.s32 $0x5E00;
	[sflag:s29] =	ssyncadd.s32 $0xFFFFFD80  }
0x5c: {  	[spmem:s14] =	stream.strided.scatter [tilespmem:s1], [sflag:$0x2], $0x280, s28, s26, $0x38;
	[tilespmem:$0xC700] =	vst v63  }
0x5d: {  	_ =	swait.ge [sflag:s29], $0x280  }
0x5e: {  	[sflag:s29] =	ssyncset.done $0x0  }
0x5f: {  	s2 =	simm.s32 $0x6080;
	[sflag:s29] =	ssyncadd.s32 $0xFFFFFD80  }
0x60: {  	[spmem:s15] =	stream.strided.scatter [tilespmem:s2], [sflag:$0x2], $0x280, s28, s26, $0x38;
	[tilespmem:$0xC700] =	vst v63  }
0x61: {  	_ =	swait.ge [sflag:s29], $0x280  }
0x62: {  	[sflag:s29] =	ssyncset.done $0x0  }
0x63: {  	s3 =	simm.s32 $0x6300;
	[sflag:s29] =	ssyncadd.s32 $0xFFFFFD80  }
0x64: {  	[spmem:s16] =	stream.strided.scatter [tilespmem:s3], [sflag:$0x2], $0x280, s28, s26, $0x38;
	[tilespmem:$0xC700] =	vst v63  }
0x65: {  	_ =	swait.ge [sflag:s29], $0x280  }
0x66: {  	[sflag:s29] =	ssyncset.done $0x0  }
0x67: {  	s1 =	simm.s32 $0x6580;
	[sflag:s29] =	ssyncadd.s32 $0xFFFFFD80  }
0x68: {  	[spmem:s17] =	stream.strided.scatter [tilespmem:s1], [sflag:$0x2], $0x280, s28, s26, $0x38;
	[tilespmem:$0xC700] =	vst v63  }
0x69: {  	_ =	swait.ge [sflag:s29], $0x280  }
0x6a: {  	[sflag:s29] =	ssyncset.done $0x0  }
0x6b: {  	s2 =	simm.s32 $0x6800;
	[sflag:s29] =	ssyncadd.s32 $0xFFFFFD80  }
0x6c: {  	[spmem:s18] =	stream.strided.scatter [tilespmem:s2], [sflag:$0x2], $0x280, s28, s26, $0x38;
	[tilespmem:$0xC700] =	vst v63  }
0x6d: {  	_ =	swait.ge [sflag:s29], $0x280  }
0x6e: {  	[sflag:s29] =	ssyncset.done $0x0  }
0x6f: {  	s3 =	simm.s32 $0x6A80;
	[sflag:s29] =	ssyncadd.s32 $0xFFFFFD80  }
0x70: {  	[spmem:s19] =	stream.strided.scatter [tilespmem:s3], [sflag:$0x2], $0x280, s28, s26, $0x38;
	[tilespmem:$0xC700] =	vst v63  }
0x71: {  	_ =	swait.ge [sflag:s29], $0x280  }
0x72: {  	[sflag:s29] =	ssyncset.done $0x0  }
0x73: {  	s1 =	simm.s32 $0x6D00;
	[sflag:s29] =	ssyncadd.s32 $0xFFFFFD80  }
0x74: {  	[spmem:s20] =	stream.strided.scatter [tilespmem:s1], [sflag:$0x2], $0x280, s28, s26, $0x38;
	[tilespmem:$0xC700] =	vst v63  }
0x75: {  	_ =	swait.ge [sflag:s29], $0x280  }
0x76: {  	[sflag:s29] =	ssyncset.done $0x0  }
0x77: {  	s2 =	simm.s32 $0x6F80;
	[sflag:s29] =	ssyncadd.s32 $0xFFFFFD80  }
0x78: {  	[spmem:s21] =	stream.strided.scatter [tilespmem:s2], [sflag:$0x2], $0x280, s28, s26, $0x38;
	[tilespmem:$0xC700] =	vst v63  }
0x79: {  	_ =	swait.ge [sflag:s29], $0x280  }
0x7a: {  	[sflag:s29] =	ssyncset.done $0x0  }
0x7b: {  	s3 =	simm.s32 $0x7200;
	[sflag:s29] =	ssyncadd.s32 $0xFFFFFD80  }
0x7c: {  	[spmem:s22] =	stream.strided.scatter [tilespmem:s3], [sflag:$0x2], $0x280, s28, s26, $0x38;
	[tilespmem:$0xC700] =	vst v63  }
0x7d: {  	_ =	swait.ge [sflag:s29], $0x280  }
0x7e: {  	[sflag:s29] =	ssyncset.done $0x0  }
0x7f: {  	s1 =	simm.s32 $0x7480;
	[sflag:s29] =	ssyncadd.s32 $0xFFFFFD80  }
0x80: {  	[spmem:s23] =	stream.strided.scatter [tilespmem:s1], [sflag:$0x2], $0x280, s28, s26, $0x38;
	[tilespmem:$0xC700] =	vst v63  }
0x81: {  	_ =	swait.ge [sflag:s29], $0x280  }
0x82: {  	[sflag:s29] =	ssyncset.done $0x0  }
0x83: {  	[sflag:s29] =	ssyncadd.s32 $0xFFFFFD80  }
0x84: {  	s2 =	simm.s32 $0x7700;
	[bflag:$0x0] =	sbarrier.arrive $0xFFFF  }
0x85: {  	[tilespmem:s2], [sflag:$0x2] =	stream.linear.gather [spmem:s6], $0x2800, $0x38;
	[tilespmem:$0xC700] =	vst v63  }
0x86: {  	s3 =	simm.s32 $0x0;
	_ =	swait.ge [sflag:s29], $0x2800  }
0x87: {  	s0 =	sand.u32 $0x1C00, s3;
	s1 =	sand.u32 $0x70, s3;
	[sflag:s29] =	ssyncset.done $0x0  }
0x88: {  	s0 =	sor.u32 s1, s0;
	[sflag:s29] =	ssyncadd.s32 $0xFFFFD800  }
0x89: {  	v2 =	vld [tilespmem:s0+$0x7780]  }
0x8a: {  	v3 =	vld [tilespmem:s0+$0x7700];
	_ =	sdelay $0x1  }
0x8b: {  	v4 =	vld [tilespmem:s0+$0x7800];
	_ =	sdelay $0x1  }
0x8c: {  	v5 =	vld [tilespmem:s0+$0x7880]  }
0x8d: {  	v2 =	vadd.f32 v2, v3  }
0x8e: {  	v3 =	vld [tilespmem:s0+$0x7900]  }
0x8f: {  	v2 =	vadd.f32 v4, v2  }
0x90: {  	v56 =	vld [tilespmem:s0+$0x7980]  }
0x91: {  	v2 =	vadd.f32 v5, v2  }
0x92: {  	v57 =	vld [tilespmem:s0+$0x7A00]  }
0x93: {  	v2 =	vadd.f32 v3, v2  }
0x94: {  	v3 =	vld [tilespmem:s0+$0x7A80]  }
0x95: {  	v2 =	vadd.f32 v56, v2  }
0x96: {  	v58 =	vld [tilespmem:s0+$0x8B00]  }
0x97: {  	v2 =	vadd.f32 v57, v2  }
0x98: {  	v59 =	vld [tilespmem:s0+$0x8B80]  }
0x99: {  	v2 =	vadd.f32 v3, v2  }
0x9a: {  	v3 =	vld [tilespmem:s0+$0x8C00]  }
0x9b: {  	v2 =	vadd.f32 v58, v2  }
0x9c: {  	v60 =	vld [tilespmem:s0+$0x8C80]  }
0x9d: {  	v2 =	vadd.f32 v59, v2  }
0x9e: {  	v61 =	vld [tilespmem:s0+$0x8D00]  }
0x9f: {  	v2 =	vadd.f32 v3, v2  }
0xa0: {  	v3 =	vld [tilespmem:s0+$0x8D80]  }
0xa1: {  	v2 =	vadd.f32 v60, v2  }
0xa2: {  	v62 =	vld [tilespmem:s0+$0x8E00]  }
0xa3: {  	v2 =	vadd.f32 v61, v2  }
0xa4: {  	v63 =	vld [tilespmem:s0+$0x8E80]  }
0xa5: {  	v2 =	vadd.f32 v3, v2;
	_ =	sdelay $0x1  }
0xa6: {  	v2 =	vadd.f32 v62, v2;
	_ =	sdelay $0x1  }
0xa7: {  	s1 =	simm.s32 $0x80;
	s2 =	simm.s32 $0x10;
	v2 =	vadd.f32 v63, v2  }
0xa8: {  	s3 =	sand.u32 $0x1C00, s1;
	s0 =	sand.u32 $0x70, s2  }
0xa9: {  	s2 =	simm.s32 $0x20;
	s0 =	sor.u32 s0, s3;
	[tilespmem:s31+$0x0] =	vst v2  }
.LBB2_6:
0xaa: {  	p1 =	sne.s32 s2, $0x270;
	v2 =	vld [tilespmem:s0+$0x7780]  }
0xab: {  	v3 =	vld [tilespmem:s0+$0x7700];
	_ =	sdelay $0x1  }
0xac: {  	v4 =	vld [tilespmem:s0+$0x7800];
	_ =	sdelay $0x1  }
0xad: {  	v5 =	vld [tilespmem:s0+$0x7880]  }
0xae: {  	v2 =	vadd.f32 v2, v3  }
0xaf: {  	v3 =	vld [tilespmem:s0+$0x7900]  }
0xb0: {  	v2 =	vadd.f32 v4, v2  }
0xb1: {  	v4 =	vld [tilespmem:s0+$0x7980]  }
0xb2: {  	v2 =	vadd.f32 v5, v2  }
0xb3: {  	v5 =	vld [tilespmem:s0+$0x7A00]  }
0xb4: {  	v2 =	vadd.f32 v3, v2  }
0xb5: {  	v3 =	vld [tilespmem:s0+$0x7A80]  }
0xb6: {  	v2 =	vadd.f32 v4, v2  }
0xb7: {  	v4 =	vld [tilespmem:s0+$0x8B00]  }
0xb8: {  	v2 =	vadd.f32 v5, v2  }
0xb9: {  	v5 =	vld [tilespmem:s0+$0x8B80]  }
0xba: {  	v2 =	vadd.f32 v3, v2  }
0xbb: {  	v3 =	vld [tilespmem:s0+$0x8C00]  }
0xbc: {  	v2 =	vadd.f32 v4, v2  }
0xbd: {  	v4 =	vld [tilespmem:s0+$0x8C80]  }
0xbe: {  	v2 =	vadd.f32 v5, v2  }
0xbf: {  	v5 =	vld [tilespmem:s0+$0x8D00]  }
0xc0: {  	v2 =	vadd.f32 v3, v2  }
0xc1: {  	v3 =	vld [tilespmem:s0+$0x8D80]  }
0xc2: {  	v2 =	vadd.f32 v4, v2  }
0xc3: {  	v4 =	vld [tilespmem:s0+$0x8E00]  }
0xc4: {  	v2 =	vadd.f32 v5, v2  }
0xc5: {  	v5 =	vld [tilespmem:s0+$0x8E80]  }
0xc6: {  	v2 =	vadd.f32 v3, v2;
	_ =	sdelay $0x1  }
.Ltmp2:
0xc7: {  	v2 =	vadd.f32 v4, v2;
	(pc) =	sbr.rel @p1 .LBB2_6-.Ltmp2, $4  }
0xc8: {  	_ = 	snop  }
0xc9: {  	s1 =	sadd.s32 $0x80, s1;
	v2 =	vadd.f32 v5, v2  }
0xca: {  	s31 =	sadd.s32 $0x10, s31;
	s3 =	sand.u32 $0x1C00, s1;
	s0 =	sand.u32 $0x70, s2  }
0xcb: {  	s2 =	sadd.s32 $0x10, s2;
	s0 =	sor.u32 s0, s3;
	[tilespmem:s31+$0x0] =	vst v2  }
0xcc: {  	v2 =	vld [tilespmem:s0+$0x7780]  }
0xcd: {  	v3 =	vld [tilespmem:s0+$0x7700];
	_ =	sdelay $0x1  }
0xce: {  	v4 =	vld [tilespmem:s0+$0x7800];
	_ =	sdelay $0x1  }
0xcf: {  	v5 =	vld [tilespmem:s0+$0x7880]  }
0xd0: {  	v2 =	vadd.f32 v2, v3  }
0xd1: {  	v3 =	vld [tilespmem:s0+$0x7900]  }
0xd2: {  	v2 =	vadd.f32 v4, v2  }
0xd3: {  	v56 =	vld [tilespmem:s0+$0x7980]  }
0xd4: {  	v2 =	vadd.f32 v5, v2  }
0xd5: {  	v57 =	vld [tilespmem:s0+$0x7A00]  }
0xd6: {  	v2 =	vadd.f32 v3, v2  }
0xd7: {  	v3 =	vld [tilespmem:s0+$0x7A80]  }
0xd8: {  	v2 =	vadd.f32 v56, v2  }
0xd9: {  	v58 =	vld [tilespmem:s0+$0x8B00]  }
0xda: {  	v2 =	vadd.f32 v57, v2  }
0xdb: {  	v59 =	vld [tilespmem:s0+$0x8B80]  }
0xdc: {  	v2 =	vadd.f32 v3, v2  }
0xdd: {  	v3 =	vld [tilespmem:s0+$0x8C00]  }
0xde: {  	v2 =	vadd.f32 v58, v2  }
0xdf: {  	v60 =	vld [tilespmem:s0+$0x8C80]  }
0xe0: {  	v2 =	vadd.f32 v59, v2  }
0xe1: {  	v61 =	vld [tilespmem:s0+$0x8D00]  }
0xe2: {  	v2 =	vadd.f32 v3, v2  }
0xe3: {  	v3 =	vld [tilespmem:s0+$0x8D80]  }
0xe4: {  	v2 =	vadd.f32 v60, v2  }
0xe5: {  	v62 =	vld [tilespmem:s0+$0x8E00]  }
0xe6: {  	v2 =	vadd.f32 v61, v2  }
0xe7: {  	v63 =	vld [tilespmem:s0+$0x8E80]  }
0xe8: {  	v2 =	vadd.f32 v3, v2;
	_ =	sdelay $0x1  }
0xe9: {  	v2 =	vadd.f32 v62, v2;
	_ =	sdelay $0x1  }
0xea: {  	s30 =	sadd.s32 $0x1, s30;
	v2 =	vadd.f32 v63, v2  }
0xeb: {  	s3 =	sadd.s32 $0x10, s31;
	p1 =	sne.s32 s30, s8  }
.Ltmp3:
0xec: {  	s31 =	simm.s32 $0x0;
	[tilespmem:s3+$0x0] =	vst v2;
	(pc) =	sbr.rel @p1 .LBB2_1-.Ltmp3, $4  }
0xed: {  	[hbm4b:s7+s31] =	stream.linear.scatter [tilespmem:s25], [sflag:$0x2], $0x280, $0x38;
	[tilespmem:$0xC700] =	vst v63  }
0xee: {  	_ =	swait.ge [sflag:s29], $0x280  }
0xef: {  	[sflag:s29] =	ssyncset.done $0x0  }
0xf0: {  	[sflag:s29] =	ssyncadd.s32 $0xFFFFFD80  }
0xf1: {  	_ =	sfence.sel $0x180000  }
0xf2: {  	[bflag:$0x0] =	sbarrier.arrive $0xFFFF  }
0xf3: {  	_ =	strace $0x90000047  }
0xf4: {  	s0 =	stileid.u32;
	[bflag:$0x2] =	sbarrier.arrive $0xFFFF  }
0xf5: {  	p0 =	sne.s32 s0, $0x0;
	s0 =	rddreg [dreg:$0x3]  }
0xf6: {  	s0 =	sadd.s32 @!p0 $0x100000, s0  }
0xf7: {  	[sflag:s0] =	ssyncadd.tile.s32 @!p0 $0x1;
	_ =	shalt  }
.Lfunc_end2:
_tile_overlayer_lowered:
.L_overlay_start_2:
0xf8: {  	(tag) =	ssettag $0x2  }
0xf9: {  	s0 =	rddreg [dreg:$0x0];
	s2 =	stileid.u32  }
0xfa: {  	s1 =	rddreg [dreg:$0x1];
	p0 =	sne.s32 s2, $0x0  }
0xfb: {  	s3 =	rddreg [dreg:$0x2];
	[bflag:$0x3] =	sbarrier.arrive $0xFFFF;
	s2 =	simm.s32 @!p0 $0x1C02  }
0xfc: {  	[timem:s3], [sflag:s2] =	dma.local @!p0 [hbm:s0], s1  }
0xfd: {  	s0 =	simm.s32 @!p0 $0x2  }
0xfe: {  	_ =	swait.ge @!p0 [sflag:s0], s1  }
0xff: {  	s1 =	ssub.s32 @!p0 $0x0, s1;
	[sflag:s0] =	ssyncset.done @!p0 $0x0  }
0x100: {  	[sflag:s0] =	ssyncadd.s32 @!p0 s1  }
0x101: {  	[bflag:$0x3] =	sbarrier.arrive $0xFFFF  }
0x102: {  	_ =	shalt  }

</sc_bundles>
